<compile_context>
chip_gen: v7x
topology: tpu7x:2x2x1
jax: 0.10.2.dev20260603
libtpu: 0.0.44.dev20260713+nightly
codegen_flags: <defaults>
</compile_context>

<pallas_src>
import functools

import jax
import jax.numpy as jnp
from jax.experimental import pallas as pl
from jax.experimental.pallas import tpu as pltpu
from jax.experimental.pallas import tpu_sc as plsc

KNN = 7
PATCH = 10
STRIDE = 5
F = 43
N = F * F
CE = 8
C = CE * PATCH * PATCH

SCW = 32
NJ = KNN + 1
TASKS = 2 * NJ * 44
TPW = TASKS // SCW
WPAD = 224
ZROW = 2 * N * CE


def _conv(x, w, b):
    y = jax.lax.conv_general_dilated(
        x, w, (1, 1), ((1, 1), (1, 1)),
        dimension_numbers=('NCHW', 'OIHW', 'NCHW'))
    return y + b[None, :, None, None]


def _bn(x, g, b):
    mu = jnp.mean(x, axis=(0, 2, 3), keepdims=True)
    v = jnp.var(x, axis=(0, 2, 3), keepdims=True)
    return g[None, :, None, None] * (x - mu) * jax.lax.rsqrt(v + 1e-5) + b[None, :, None, None]


def _sc_fold(table, idxall):
    mesh = plsc.VectorSubcoreMesh(core_axis_name="c", subcore_axis_name="s")

    @functools.partial(
        pl.kernel, mesh=mesh,
        out_type=jax.ShapeDtypeStruct((TASKS, CE, 86, 128), jnp.float32),
        scratch_types=([pltpu.VMEM((86,), jnp.int32)] * CE +
                       [pltpu.VMEM((86, 128), jnp.float32)] * CE + [
            pltpu.SemaphoreType.DMA,
        ]),
    )
    def k(table_hbm, idx_hbm, out_hbm, *rest):
        idxbufs = rest[:CE]
        dests = rest[CE:2 * CE]
        sem = rest[2 * CE]
        wid = jax.lax.axis_index("s") * 2 + jax.lax.axis_index("c")

        def task(t, carry):
            tid = wid * TPW + t
            copies = []
            for ce in range(CE):
                pltpu.sync_copy(idx_hbm.at[tid, ce], idxbufs[ce])
                copies.append(pltpu.async_copy(
                    table_hbm.at[idxbufs[ce]], dests[ce], sem))
            for cp in copies:
                cp.wait()
            for ce in range(CE):
                pltpu.sync_copy(dests[ce], out_hbm.at[tid, ce])
            return carry

        jax.lax.fori_loop(0, TPW, task, 0)

    return k(table, idxall)


def _fold_indices(idx):
    bI = jnp.arange(2).reshape(2, 1, 1, 1, 1, 1)
    jI = jnp.arange(NJ).reshape(1, NJ, 1, 1, 1, 1)
    uI = jnp.arange(44).reshape(1, 1, 44, 1, 1, 1)
    ceI = jnp.arange(CE).reshape(1, 1, 1, CE, 1, 1)
    aI = jnp.arange(2).reshape(1, 1, 1, 1, 2, 1)
    tI = jnp.arange(F).reshape(1, 1, 1, 1, 1, F)
    pi = uI - aI
    valid = (pi >= 0) & (pi <= F - 1)
    p = jnp.clip(pi, 0, F - 1) * F + tI
    q = jnp.where(jI == 0, p, idx[bI, p, jI])
    row = (bI * N + q) * CE + ceI
    row = jnp.where(valid, row, ZROW).astype(jnp.int32)
    return row.reshape(TASKS, CE, 2 * F)


def kernel(x, ew1, eb1, eg1, ebt1, ew2, eb2, eg2, ebt2, ew3, eb3,
           tw1, tb1, tg1, tbt1, tw2, tb2, tg2, tbt2, tw3, tb3):
    bsz, _, h, w = x.shape

    E = _conv(jax.nn.relu(_bn(_conv(jax.nn.relu(_bn(_conv(x, ew1, eb1), eg1, ebt1)),
                                    ew2, eb2), eg2, ebt2)), ew3, eb3)

    idxk = (jnp.arange(F) * STRIDE)[:, None] + jnp.arange(PATCH)[None, :]
    patches = E[:, :, idxk[:, None, :, None], idxk[None, :, None, :]]
    e2col = patches.transpose(0, 1, 4, 5, 2, 3).reshape(bsz, C, N).transpose(0, 2, 1)

    sq = jnp.sum(e2col * e2col, axis=-1)
    d2 = sq[:, :, None] + sq[:, None, :] - 2.0 * jnp.einsum('bnc,bmc->bnm', e2col, e2col)
    dist = jnp.sqrt(jnp.maximum(d2, 0.0))
    _, idx = jax.lax.top_k(-dist, KNN + 1)

    table = jnp.pad(e2col.reshape(2 * N * CE, 100), ((0, 1), (0, 28)))
    idxall = _fold_indices(idx)
    g = _sc_fold(table, idxall)
    t = g[..., :100].reshape(2, NJ, 44, CE, 2, F, PATCH, PATCH)
    out = 0.0
    for a in range(2):
        ra = t[:, :, :, :, a, :, 5 * a:5 * a + 5, :]
        ra = ra.transpose(0, 1, 3, 2, 5, 4, 6)
        ra = ra.reshape(2, NJ, CE, 220, F, PATCH)
        even = ra[:, :, :, :, 0::2, :].reshape(2, NJ, CE, 220, 220)
        odd = ra[:, :, :, :, 1::2, :].reshape(2, NJ, CE, 220, 210)
        odd = jnp.pad(odd, ((0, 0), (0, 0), (0, 0), (0, 0), (5, 5)))
        out = out + even + odd
    return out.reshape(bsz, NJ * CE, h, w)

# --- scband reference (transcript-rebuilt; emitter-appended) ---
"""Pipeline reference for scband-n3-block-7335804142147 (READ-ONLY COPY).

The authoritative reference and input builder live on the scoring server;
editing this copy changes nothing except your own understanding.
"""

import jax, jax.numpy as jnp
import numpy as np


def _conv(x, w, b):
    y = jax.lax.conv_general_dilated(x, w, (1, 1), ((1, 1), (1, 1)),
                                     dimension_numbers=('NCHW', 'OIHW', 'NCHW'))
    return y + b[None, :, None, None]


def _bn(x, g, b):
    # BatchNorm2d in training mode: biased batch statistics over (N, H, W)
    mu = jnp.mean(x, axis=(0, 2, 3), keepdims=True)
    v = jnp.var(x, axis=(0, 2, 3), keepdims=True)
    return g[None, :, None, None] * (x - mu) * jax.lax.rsqrt(v + 1e-5) + b[None, :, None, None]


def setup_inputs(seed: int = 0) -> dict:
    key = jax.random.key(seed)
    ks = jax.random.split(key, 8)

    def p(i, shape, scale=0.05):
        return jax.random.normal(ks[i], shape, jnp.float32) * scale

    return {
        'x': jax.random.normal(ks[0], (2, 3, 220, 220), jnp.float32),
        # embedding_network params
        'ew1': p(1, (64, 3, 3, 3)), 'eb1': jnp.zeros((64,), jnp.float32),
        'eg1': jnp.ones((64,), jnp.float32), 'ebt1': jnp.zeros((64,), jnp.float32),
        'ew2': p(2, (64, 64, 3, 3)), 'eb2': jnp.zeros((64,), jnp.float32),
        'eg2': jnp.ones((64,), jnp.float32), 'ebt2': jnp.zeros((64,), jnp.float32),
        'ew3': p(3, (8, 64, 3, 3)), 'eb3': jnp.zeros((8,), jnp.float32),
        # temrature_cnn params (computed in forward but unused in output)
        'tw1': p(4, (64, 3, 3, 3)), 'tb1': jnp.zeros((64,), jnp.float32),
        'tg1': jnp.ones((64,), jnp.float32), 'tbt1': jnp.zeros((64,), jnp.float32),
        'tw2': p(5, (64, 64, 3, 3)), 'tb2': jnp.zeros((64,), jnp.float32),
        'tg2': jnp.ones((64,), jnp.float32), 'tbt2': jnp.zeros((64,), jnp.float32),
        'tw3': p(6, (1, 64, 3, 3)), 'tb3': jnp.zeros((1,), jnp.float32),
    }


def reference(x, ew1, eb1, eg1, ebt1, ew2, eb2, eg2, ebt2, ew3, eb3,
              tw1, tb1, tg1, tbt1, tw2, tb2, tg2, tbt2, tw3, tb3):
    K = 7
    k = 10  # patch_size
    s = 5   # stride
    Bsz, _, H, W = x.shape

    E = _conv(jax.nn.relu(_bn(_conv(jax.nn.relu(_bn(_conv(x, ew1, eb1), eg1, ebt1)),
                                    ew2, eb2), eg2, ebt2)), ew3, eb3)
    T = _conv(jax.nn.relu(_bn(_conv(jax.nn.relu(_bn(_conv(x, tw1, tb1), tg1, tbt1)),
                                    tw2, tb2), tg2, tbt2)), tw3, tb3)  # unused (as in torch forward)

    # im2col (zero padding since (H - k) % s == 0)
    f = (H - k) // s + 1
    idxk = (jnp.arange(f) * s)[:, None] + jnp.arange(k)[None, :]  # [f, k]
    patches = E[:, :, idxk[:, None, :, None], idxk[None, :, None, :]]  # [B, Ce, f, f, k, k]
    C = E.shape[1] * k * k
    N = f * f
    E2col = patches.transpose(0, 1, 4, 5, 2, 3).reshape(Bsz, C, N).transpose(0, 2, 1)  # [B, N, C]

    # pairwise euclidean distance (cdist)
    sq = jnp.sum(E2col * E2col, axis=-1)
    d2 = sq[:, :, None] + sq[:, None, :] - 2.0 * jnp.einsum('bnc,bmc->bnm', E2col, E2col)
    dist = jnp.sqrt(jnp.maximum(d2, 0.0))

    # topk smallest (K+1 including self)
    _, idx = jax.lax.top_k(-dist, K + 1)  # [B, N, K+1]

    nb = jnp.take_along_axis(E2col, idx.reshape(Bsz, N * (K + 1))[:, :, None], axis=1)
    nb = nb.reshape(Bsz, N, K + 1, C)[:, :, 1:, :]  # drop self

    Y = jnp.concatenate([E2col, nb.reshape(Bsz, N, K * C)], axis=2).transpose(0, 2, 1)  # [B, (K+1)*C, N]

    # fold (col2im with overlap-add)
    Cf = ((K + 1) * C) // (k * k)
    Yr = Y.reshape(Bsz, Cf, k, k, f, f).transpose(0, 1, 4, 5, 2, 3)  # [B, Cf, f, f, k, k]
    out = jnp.zeros((Bsz, Cf, H, W), x.dtype).at[:, :, idxk[:, None, :, None], idxk[None, :, None, :]].add(Yr)
    return out

if __name__ == "__main__":
    import jax
    _d = setup_inputs()
    print(jax.jit(kernel)(*tuple(_d.values())))

</pallas_src>

<mosaic_0001>
#map = affine_map<(d0, d1) -> (0, 0)>
#map1 = affine_map<(d0, d1) -> (0, 0, 0)>
#map2 = affine_map<(d0, d1) -> (0, 0, 0, 0)>
module attributes {stable_mosaic.version = 14 : i64} {
  func.func @k(%arg0: i32, %arg1: i32, %arg2: memref<29585x128xf32, #tpu.memory_space<hbm>>, %arg3: memref<704x8x86xi32, #tpu.memory_space<hbm>>, %arg4: memref<704x8x86x128xf32, #tpu.memory_space<hbm>>, %arg5: memref<86xi32, #tpu.memory_space<vmem>>, %arg6: memref<86xi32, #tpu.memory_space<vmem>>, %arg7: memref<86xi32, #tpu.memory_space<vmem>>, %arg8: memref<86xi32, #tpu.memory_space<vmem>>, %arg9: memref<86xi32, #tpu.memory_space<vmem>>, %arg10: memref<86xi32, #tpu.memory_space<vmem>>, %arg11: memref<86xi32, #tpu.memory_space<vmem>>, %arg12: memref<86xi32, #tpu.memory_space<vmem>>, %arg13: memref<86x128xf32, #tpu.memory_space<vmem>>, %arg14: memref<86x128xf32, #tpu.memory_space<vmem>>, %arg15: memref<86x128xf32, #tpu.memory_space<vmem>>, %arg16: memref<86x128xf32, #tpu.memory_space<vmem>>, %arg17: memref<86x128xf32, #tpu.memory_space<vmem>>, %arg18: memref<86x128xf32, #tpu.memory_space<vmem>>, %arg19: memref<86x128xf32, #tpu.memory_space<vmem>>, %arg20: memref<86x128xf32, #tpu.memory_space<vmem>>, %arg21: memref<!tpu.dma_semaphore, #tpu.memory_space<semaphore_mem>>) attributes {dimension_semantics = [#tpu.dimension_semantics<core_parallel>, #tpu.dimension_semantics<subcore_parallel>], iteration_bounds = array<i64: 2, 16>, scalar_prefetch = 0 : i64, scratch_operands = 17 : i64, tpu.core_type = #tpu.core_type<sc_vector_subcore>, window_params = [{transform_indices = #map}, {transform_indices = #map1}, {transform_indices = #map2}]} {
    %mul3A = arith.constant 2 : i32
    %mul3A_0 = arith.muli %arg1, %mul3A : i32
    %add3A = arith.addi %mul3A_0, %arg0 : i32
    %scan3A = arith.constant 0 : i32
    %scan3A_1 = arith.constant 0 : i32
    %scan3A_2 = arith.constant 22 : i32
    %scan3A_3 = arith.addi %scan3A_1, %scan3A_2 : i32
    %scan3A_4 = arith.constant 1 : i32
    scf.for %scan3A_6 = %scan3A_1 to %scan3A_3 step %scan3A_4  : i32 {
      %mul3A_7 = arith.constant 22 : i32
      %mul3A_8 = arith.muli %add3A, %mul3A_7 : i32
      %add3A_9 = arith.addi %mul3A_8, %scan3A_6 : i32
      %run_scoped3A = arith.constant 0 : i32
      "tpu.region"() ({
        %run_scoped3A_71 = tpu.sem_alloc : memref<!tpu.dma_semaphore, #tpu.memory_space<semaphore_mem>>
        %dma_start3A_72 = arith.constant 0 : i32
        %dma_start3A_73 = tpu.memref_slice %arg3[%add3A_9, %run_scoped3A, %dma_start3A_72] : memref<704x8x86xi32, #tpu.memory_space<hbm>> -> memref<1x1x86xi32, #tpu.memory_space<hbm>>
        %dma_start3A_74 = tpu.memref_squeeze %dma_start3A_73 : memref<1x1x86xi32, #tpu.memory_space<hbm>> -> memref<86xi32, #tpu.memory_space<hbm>>
        %dma_start3A_75 = arith.constant 0 : i32
        %dma_start3A_76 = tpu.memref_slice %arg3[%add3A_9, %run_scoped3A, %dma_start3A_75] : memref<704x8x86xi32, #tpu.memory_space<hbm>> -> memref<1x1x86xi32, #tpu.memory_space<hbm>>
        %dma_start3A_77 = tpu.memref_squeeze %dma_start3A_76 : memref<1x1x86xi32, #tpu.memory_space<hbm>> -> memref<86xi32, #tpu.memory_space<hbm>>
        tpu.enqueue_dma source(%dma_start3A_77 : memref<86xi32, #tpu.memory_space<hbm>>) target(%arg5 : memref<86xi32, #tpu.memory_space<vmem>>) target_semaphore(%run_scoped3A_71 : memref<!tpu.dma_semaphore, #tpu.memory_space<semaphore_mem>>)
        %dma_wait3A_78 = arith.constant 0 : i32
        %dma_wait3A_79 = tpu.memref_slice %arg3[%add3A_9, %run_scoped3A, %dma_wait3A_78] : memref<704x8x86xi32, #tpu.memory_space<hbm>> -> memref<1x1x86xi32, #tpu.memory_space<hbm>>
        %dma_wait3A_80 = tpu.memref_squeeze %dma_wait3A_79 : memref<1x1x86xi32, #tpu.memory_space<hbm>> -> memref<86xi32, #tpu.memory_space<hbm>>
        %dma_wait3A_81 = arith.constant 0 : i32
        %dma_wait3A_82 = tpu.memref_slice %arg3[%add3A_9, %run_scoped3A, %dma_wait3A_81] : memref<704x8x86xi32, #tpu.memory_space<hbm>> -> memref<1x1x86xi32, #tpu.memory_space<hbm>>
        %dma_wait3A_83 = tpu.memref_squeeze %dma_wait3A_82 : memref<1x1x86xi32, #tpu.memory_space<hbm>> -> memref<86xi32, #tpu.memory_space<hbm>>
        tpu.wait_dma2 semaphore(%run_scoped3A_71 : memref<!tpu.dma_semaphore, #tpu.memory_space<semaphore_mem>>) src(%dma_wait3A_83 : memref<86xi32, #tpu.memory_space<hbm>>) dst(%arg5 : memref<86xi32, #tpu.memory_space<vmem>>)
        tpu.yield
      }) : () -> ()
      %dma_start3A = arith.constant 0 : i32
      %dma_start3A_10 = arith.constant 0 : i32
      %dma_start3A_11 = tpu.memref_slice %arg2[%dma_start3A, %dma_start3A_10] : memref<29585x128xf32, #tpu.memory_space<hbm>> -> memref<29585x128xf32, #tpu.memory_space<hbm>>
      tpu.enqueue_indirect_dma source(%dma_start3A_11 : memref<29585x128xf32, #tpu.memory_space<hbm>>) target(%arg13 : memref<86x128xf32, #tpu.memory_space<vmem>>) offsets(%arg5 : memref<86xi32, #tpu.memory_space<vmem>>) semaphore(%arg21 : memref<!tpu.dma_semaphore, #tpu.memory_space<semaphore_mem>>)
      %run_scoped3A_12 = arith.constant 1 : i32
      "tpu.region"() ({
        %run_scoped3A_71 = tpu.sem_alloc : memref<!tpu.dma_semaphore, #tpu.memory_space<semaphore_mem>>
        %dma_start3A_72 = arith.constant 0 : i32
        %dma_start3A_73 = tpu.memref_slice %arg3[%add3A_9, %run_scoped3A_12, %dma_start3A_72] : memref<704x8x86xi32, #tpu.memory_space<hbm>> -> memref<1x1x86xi32, #tpu.memory_space<hbm>>
        %dma_start3A_74 = tpu.memref_squeeze %dma_start3A_73 : memref<1x1x86xi32, #tpu.memory_space<hbm>> -> memref<86xi32, #tpu.memory_space<hbm>>
        %dma_start3A_75 = arith.constant 0 : i32
        %dma_start3A_76 = tpu.memref_slice %arg3[%add3A_9, %run_scoped3A_12, %dma_start3A_75] : memref<704x8x86xi32, #tpu.memory_space<hbm>> -> memref<1x1x86xi32, #tpu.memory_space<hbm>>
        %dma_start3A_77 = tpu.memref_squeeze %dma_start3A_76 : memref<1x1x86xi32, #tpu.memory_space<hbm>> -> memref<86xi32, #tpu.memory_space<hbm>>
        tpu.enqueue_dma source(%dma_start3A_77 : memref<86xi32, #tpu.memory_space<hbm>>) target(%arg6 : memref<86xi32, #tpu.memory_space<vmem>>) target_semaphore(%run_scoped3A_71 : memref<!tpu.dma_semaphore, #tpu.memory_space<semaphore_mem>>)
        %dma_wait3A_78 = arith.constant 0 : i32
        %dma_wait3A_79 = tpu.memref_slice %arg3[%add3A_9, %run_scoped3A_12, %dma_wait3A_78] : memref<704x8x86xi32, #tpu.memory_space<hbm>> -> memref<1x1x86xi32, #tpu.memory_space<hbm>>
        %dma_wait3A_80 = tpu.memref_squeeze %dma_wait3A_79 : memref<1x1x86xi32, #tpu.memory_space<hbm>> -> memref<86xi32, #tpu.memory_space<hbm>>
        %dma_wait3A_81 = arith.constant 0 : i32
        %dma_wait3A_82 = tpu.memref_slice %arg3[%add3A_9, %run_scoped3A_12, %dma_wait3A_81] : memref<704x8x86xi32, #tpu.memory_space<hbm>> -> memref<1x1x86xi32, #tpu.memory_space<hbm>>
        %dma_wait3A_83 = tpu.memref_squeeze %dma_wait3A_82 : memref<1x1x86xi32, #tpu.memory_space<hbm>> -> memref<86xi32, #tpu.memory_space<hbm>>
        tpu.wait_dma2 semaphore(%run_scoped3A_71 : memref<!tpu.dma_semaphore, #tpu.memory_space<semaphore_mem>>) src(%dma_wait3A_83 : memref<86xi32, #tpu.memory_space<hbm>>) dst(%arg6 : memref<86xi32, #tpu.memory_space<vmem>>)
        tpu.yield
      }) : () -> ()
      %dma_start3A_13 = arith.constant 0 : i32
      %dma_start3A_14 = arith.constant 0 : i32
      %dma_start3A_15 = tpu.memref_slice %arg2[%dma_start3A_13, %dma_start3A_14] : memref<29585x128xf32, #tpu.memory_space<hbm>> -> memref<29585x128xf32, #tpu.memory_space<hbm>>
      tpu.enqueue_indirect_dma source(%dma_start3A_15 : memref<29585x128xf32, #tpu.memory_space<hbm>>) target(%arg14 : memref<86x128xf32, #tpu.memory_space<vmem>>) offsets(%arg6 : memref<86xi32, #tpu.memory_space<vmem>>) semaphore(%arg21 : memref<!tpu.dma_semaphore, #tpu.memory_space<semaphore_mem>>)
      %run_scoped3A_16 = arith.constant 2 : i32
      "tpu.region"() ({
        %run_scoped3A_71 = tpu.sem_alloc : memref<!tpu.dma_semaphore, #tpu.memory_space<semaphore_mem>>
        %dma_start3A_72 = arith.constant 0 : i32
        %dma_start3A_73 = tpu.memref_slice %arg3[%add3A_9, %run_scoped3A_16, %dma_start3A_72] : memref<704x8x86xi32, #tpu.memory_space<hbm>> -> memref<1x1x86xi32, #tpu.memory_space<hbm>>
        %dma_start3A_74 = tpu.memref_squeeze %dma_start3A_73 : memref<1x1x86xi32, #tpu.memory_space<hbm>> -> memref<86xi32, #tpu.memory_space<hbm>>
        %dma_start3A_75 = arith.constant 0 : i32
        %dma_start3A_76 = tpu.memref_slice %arg3[%add3A_9, %run_scoped3A_16, %dma_start3A_75] : memref<704x8x86xi32, #tpu.memory_space<hbm>> -> memref<1x1x86xi32, #tpu.memory_space<hbm>>
        %dma_start3A_77 = tpu.memref_squeeze %dma_start3A_76 : memref<1x1x86xi32, #tpu.memory_space<hbm>> -> memref<86xi32, #tpu.memory_space<hbm>>
        tpu.enqueue_dma source(%dma_start3A_77 : memref<86xi32, #tpu.memory_space<hbm>>) target(%arg7 : memref<86xi32, #tpu.memory_space<vmem>>) target_semaphore(%run_scoped3A_71 : memref<!tpu.dma_semaphore, #tpu.memory_space<semaphore_mem>>)
        %dma_wait3A_78 = arith.constant 0 : i32
        %dma_wait3A_79 = tpu.memref_slice %arg3[%add3A_9, %run_scoped3A_16, %dma_wait3A_78] : memref<704x8x86xi32, #tpu.memory_space<hbm>> -> memref<1x1x86xi32, #tpu.memory_space<hbm>>
        %dma_wait3A_80 = tpu.memref_squeeze %dma_wait3A_79 : memref<1x1x86xi32, #tpu.memory_space<hbm>> -> memref<86xi32, #tpu.memory_space<hbm>>
        %dma_wait3A_81 = arith.constant 0 : i32
        %dma_wait3A_82 = tpu.memref_slice %arg3[%add3A_9, %run_scoped3A_16, %dma_wait3A_81] : memref<704x8x86xi32, #tpu.memory_space<hbm>> -> memref<1x1x86xi32, #tpu.memory_space<hbm>>
        %dma_wait3A_83 = tpu.memref_squeeze %dma_wait3A_82 : memref<1x1x86xi32, #tpu.memory_space<hbm>> -> memref<86xi32, #tpu.memory_space<hbm>>
        tpu.wait_dma2 semaphore(%run_scoped3A_71 : memref<!tpu.dma_semaphore, #tpu.memory_space<semaphore_mem>>) src(%dma_wait3A_83 : memref<86xi32, #tpu.memory_space<hbm>>) dst(%arg7 : memref<86xi32, #tpu.memory_space<vmem>>)
        tpu.yield
      }) : () -> ()
      %dma_start3A_17 = arith.constant 0 : i32
      %dma_start3A_18 = arith.constant 0 : i32
      %dma_start3A_19 = tpu.memref_slice %arg2[%dma_start3A_17, %dma_start3A_18] : memref<29585x128xf32, #tpu.memory_space<hbm>> -> memref<29585x128xf32, #tpu.memory_space<hbm>>
      tpu.enqueue_indirect_dma source(%dma_start3A_19 : memref<29585x128xf32, #tpu.memory_space<hbm>>) target(%arg15 : memref<86x128xf32, #tpu.memory_space<vmem>>) offsets(%arg7 : memref<86xi32, #tpu.memory_space<vmem>>) semaphore(%arg21 : memref<!tpu.dma_semaphore, #tpu.memory_space<semaphore_mem>>)
      %run_scoped3A_20 = arith.constant 3 : i32
      "tpu.region"() ({
        %run_scoped3A_71 = tpu.sem_alloc : memref<!tpu.dma_semaphore, #tpu.memory_space<semaphore_mem>>
        %dma_start3A_72 = arith.constant 0 : i32
        %dma_start3A_73 = tpu.memref_slice %arg3[%add3A_9, %run_scoped3A_20, %dma_start3A_72] : memref<704x8x86xi32, #tpu.memory_space<hbm>> -> memref<1x1x86xi32, #tpu.memory_space<hbm>>
        %dma_start3A_74 = tpu.memref_squeeze %dma_start3A_73 : memref<1x1x86xi32, #tpu.memory_space<hbm>> -> memref<86xi32, #tpu.memory_space<hbm>>
        %dma_start3A_75 = arith.constant 0 : i32
        %dma_start3A_76 = tpu.memref_slice %arg3[%add3A_9, %run_scoped3A_20, %dma_start3A_75] : memref<704x8x86xi32, #tpu.memory_space<hbm>> -> memref<1x1x86xi32, #tpu.memory_space<hbm>>
        %dma_start3A_77 = tpu.memref_squeeze %dma_start3A_76 : memref<1x1x86xi32, #tpu.memory_space<hbm>> -> memref<86xi32, #tpu.memory_space<hbm>>
        tpu.enqueue_dma source(%dma_start3A_77 : memref<86xi32, #tpu.memory_space<hbm>>) target(%arg8 : memref<86xi32, #tpu.memory_space<vmem>>) target_semaphore(%run_scoped3A_71 : memref<!tpu.dma_semaphore, #tpu.memory_space<semaphore_mem>>)
        %dma_wait3A_78 = arith.constant 0 : i32
        %dma_wait3A_79 = tpu.memref_slice %arg3[%add3A_9, %run_scoped3A_20, %dma_wait3A_78] : memref<704x8x86xi32, #tpu.memory_space<hbm>> -> memref<1x1x86xi32, #tpu.memory_space<hbm>>
        %dma_wait3A_80 = tpu.memref_squeeze %dma_wait3A_79 : memref<1x1x86xi32, #tpu.memory_space<hbm>> -> memref<86xi32, #tpu.memory_space<hbm>>
        %dma_wait3A_81 = arith.constant 0 : i32
        %dma_wait3A_82 = tpu.memref_slice %arg3[%add3A_9, %run_scoped3A_20, %dma_wait3A_81] : memref<704x8x86xi32, #tpu.memory_space<hbm>> -> memref<1x1x86xi32, #tpu.memory_space<hbm>>
        %dma_wait3A_83 = tpu.memref_squeeze %dma_wait3A_82 : memref<1x1x86xi32, #tpu.memory_space<hbm>> -> memref<86xi32, #tpu.memory_space<hbm>>
        tpu.wait_dma2 semaphore(%run_scoped3A_71 : memref<!tpu.dma_semaphore, #tpu.memory_space<semaphore_mem>>) src(%dma_wait3A_83 : memref<86xi32, #tpu.memory_space<hbm>>) dst(%arg8 : memref<86xi32, #tpu.memory_space<vmem>>)
        tpu.yield
      }) : () -> ()
      %dma_start3A_21 = arith.constant 0 : i32
      %dma_start3A_22 = arith.constant 0 : i32
      %dma_start3A_23 = tpu.memref_slice %arg2[%dma_start3A_21, %dma_start3A_22] : memref<29585x128xf32, #tpu.memory_space<hbm>> -> memref<29585x128xf32, #tpu.memory_space<hbm>>
      tpu.enqueue_indirect_dma source(%dma_start3A_23 : memref<29585x128xf32, #tpu.memory_space<hbm>>) target(%arg16 : memref<86x128xf32, #tpu.memory_space<vmem>>) offsets(%arg8 : memref<86xi32, #tpu.memory_space<vmem>>) semaphore(%arg21 : memref<!tpu.dma_semaphore, #tpu.memory_space<semaphore_mem>>)
      %run_scoped3A_24 = arith.constant 4 : i32
      "tpu.region"() ({
        %run_scoped3A_71 = tpu.sem_alloc : memref<!tpu.dma_semaphore, #tpu.memory_space<semaphore_mem>>
        %dma_start3A_72 = arith.constant 0 : i32
        %dma_start3A_73 = tpu.memref_slice %arg3[%add3A_9, %run_scoped3A_24, %dma_start3A_72] : memref<704x8x86xi32, #tpu.memory_space<hbm>> -> memref<1x1x86xi32, #tpu.memory_space<hbm>>
        %dma_start3A_74 = tpu.memref_squeeze %dma_start3A_73 : memref<1x1x86xi32, #tpu.memory_space<hbm>> -> memref<86xi32, #tpu.memory_space<hbm>>
        %dma_start3A_75 = arith.constant 0 : i32
        %dma_start3A_76 = tpu.memref_slice %arg3[%add3A_9, %run_scoped3A_24, %dma_start3A_75] : memref<704x8x86xi32, #tpu.memory_space<hbm>> -> memref<1x1x86xi32, #tpu.memory_space<hbm>>
        %dma_start3A_77 = tpu.memref_squeeze %dma_start3A_76 : memref<1x1x86xi32, #tpu.memory_space<hbm>> -> memref<86xi32, #tpu.memory_space<hbm>>
        tpu.enqueue_dma source(%dma_start3A_77 : memref<86xi32, #tpu.memory_space<hbm>>) target(%arg9 : memref<86xi32, #tpu.memory_space<vmem>>) target_semaphore(%run_scoped3A_71 : memref<!tpu.dma_semaphore, #tpu.memory_space<semaphore_mem>>)
        %dma_wait3A_78 = arith.constant 0 : i32
        %dma_wait3A_79 = tpu.memref_slice %arg3[%add3A_9, %run_scoped3A_24, %dma_wait3A_78] : memref<704x8x86xi32, #tpu.memory_space<hbm>> -> memref<1x1x86xi32, #tpu.memory_space<hbm>>
        %dma_wait3A_80 = tpu.memref_squeeze %dma_wait3A_79 : memref<1x1x86xi32, #tpu.memory_space<hbm>> -> memref<86xi32, #tpu.memory_space<hbm>>
        %dma_wait3A_81 = arith.constant 0 : i32
        %dma_wait3A_82 = tpu.memref_slice %arg3[%add3A_9, %run_scoped3A_24, %dma_wait3A_81] : memref<704x8x86xi32, #tpu.memory_space<hbm>> -> memref<1x1x86xi32, #tpu.memory_space<hbm>>
        %dma_wait3A_83 = tpu.memref_squeeze %dma_wait3A_82 : memref<1x1x86xi32, #tpu.memory_space<hbm>> -> memref<86xi32, #tpu.memory_space<hbm>>
        tpu.wait_dma2 semaphore(%run_scoped3A_71 : memref<!tpu.dma_semaphore, #tpu.memory_space<semaphore_mem>>) src(%dma_wait3A_83 : memref<86xi32, #tpu.memory_space<hbm>>) dst(%arg9 : memref<86xi32, #tpu.memory_space<vmem>>)
        tpu.yield
      }) : () -> ()
      %dma_start3A_25 = arith.constant 0 : i32
      %dma_start3A_26 = arith.constant 0 : i32
      %dma_start3A_27 = tpu.memref_slice %arg2[%dma_start3A_25, %dma_start3A_26] : memref<29585x128xf32, #tpu.memory_space<hbm>> -> memref<29585x128xf32, #tpu.memory_space<hbm>>
      tpu.enqueue_indirect_dma source(%dma_start3A_27 : memref<29585x128xf32, #tpu.memory_space<hbm>>) target(%arg17 : memref<86x128xf32, #tpu.memory_space<vmem>>) offsets(%arg9 : memref<86xi32, #tpu.memory_space<vmem>>) semaphore(%arg21 : memref<!tpu.dma_semaphore, #tpu.memory_space<semaphore_mem>>)
      %run_scoped3A_28 = arith.constant 5 : i32
      "tpu.region"() ({
        %run_scoped3A_71 = tpu.sem_alloc : memref<!tpu.dma_semaphore, #tpu.memory_space<semaphore_mem>>
        %dma_start3A_72 = arith.constant 0 : i32
        %dma_start3A_73 = tpu.memref_slice %arg3[%add3A_9, %run_scoped3A_28, %dma_start3A_72] : memref<704x8x86xi32, #tpu.memory_space<hbm>> -> memref<1x1x86xi32, #tpu.memory_space<hbm>>
        %dma_start3A_74 = tpu.memref_squeeze %dma_start3A_73 : memref<1x1x86xi32, #tpu.memory_space<hbm>> -> memref<86xi32, #tpu.memory_space<hbm>>
        %dma_start3A_75 = arith.constant 0 : i32
        %dma_start3A_76 = tpu.memref_slice %arg3[%add3A_9, %run_scoped3A_28, %dma_start3A_75] : memref<704x8x86xi32, #tpu.memory_space<hbm>> -> memref<1x1x86xi32, #tpu.memory_space<hbm>>
        %dma_start3A_77 = tpu.memref_squeeze %dma_start3A_76 : memref<1x1x86xi32, #tpu.memory_space<hbm>> -> memref<86xi32, #tpu.memory_space<hbm>>
        tpu.enqueue_dma source(%dma_start3A_77 : memref<86xi32, #tpu.memory_space<hbm>>) target(%arg10 : memref<86xi32, #tpu.memory_space<vmem>>) target_semaphore(%run_scoped3A_71 : memref<!tpu.dma_semaphore, #tpu.memory_space<semaphore_mem>>)
        %dma_wait3A_78 = arith.constant 0 : i32
        %dma_wait3A_79 = tpu.memref_slice %arg3[%add3A_9, %run_scoped3A_28, %dma_wait3A_78] : memref<704x8x86xi32, #tpu.memory_space<hbm>> -> memref<1x1x86xi32, #tpu.memory_space<hbm>>
        %dma_wait3A_80 = tpu.memref_squeeze %dma_wait3A_79 : memref<1x1x86xi32, #tpu.memory_space<hbm>> -> memref<86xi32, #tpu.memory_space<hbm>>
        %dma_wait3A_81 = arith.constant 0 : i32
        %dma_wait3A_82 = tpu.memref_slice %arg3[%add3A_9, %run_scoped3A_28, %dma_wait3A_81] : memref<704x8x86xi32, #tpu.memory_space<hbm>> -> memref<1x1x86xi32, #tpu.memory_space<hbm>>
        %dma_wait3A_83 = tpu.memref_squeeze %dma_wait3A_82 : memref<1x1x86xi32, #tpu.memory_space<hbm>> -> memref<86xi32, #tpu.memory_space<hbm>>
        tpu.wait_dma2 semaphore(%run_scoped3A_71 : memref<!tpu.dma_semaphore, #tpu.memory_space<semaphore_mem>>) src(%dma_wait3A_83 : memref<86xi32, #tpu.memory_space<hbm>>) dst(%arg10 : memref<86xi32, #tpu.memory_space<vmem>>)
        tpu.yield
      }) : () -> ()
      %dma_start3A_29 = arith.constant 0 : i32
      %dma_start3A_30 = arith.constant 0 : i32
      %dma_start3A_31 = tpu.memref_slice %arg2[%dma_start3A_29, %dma_start3A_30] : memref<29585x128xf32, #tpu.memory_space<hbm>> -> memref<29585x128xf32, #tpu.memory_space<hbm>>
      tpu.enqueue_indirect_dma source(%dma_start3A_31 : memref<29585x128xf32, #tpu.memory_space<hbm>>) target(%arg18 : memref<86x128xf32, #tpu.memory_space<vmem>>) offsets(%arg10 : memref<86xi32, #tpu.memory_space<vmem>>) semaphore(%arg21 : memref<!tpu.dma_semaphore, #tpu.memory_space<semaphore_mem>>)
      %run_scoped3A_32 = arith.constant 6 : i32
      "tpu.region"() ({
        %run_scoped3A_71 = tpu.sem_alloc : memref<!tpu.dma_semaphore, #tpu.memory_space<semaphore_mem>>
        %dma_start3A_72 = arith.constant 0 : i32
        %dma_start3A_73 = tpu.memref_slice %arg3[%add3A_9, %run_scoped3A_32, %dma_start3A_72] : memref<704x8x86xi32, #tpu.memory_space<hbm>> -> memref<1x1x86xi32, #tpu.memory_space<hbm>>
        %dma_start3A_74 = tpu.memref_squeeze %dma_start3A_73 : memref<1x1x86xi32, #tpu.memory_space<hbm>> -> memref<86xi32, #tpu.memory_space<hbm>>
        %dma_start3A_75 = arith.constant 0 : i32
        %dma_start3A_76 = tpu.memref_slice %arg3[%add3A_9, %run_scoped3A_32, %dma_start3A_75] : memref<704x8x86xi32, #tpu.memory_space<hbm>> -> memref<1x1x86xi32, #tpu.memory_space<hbm>>
        %dma_start3A_77 = tpu.memref_squeeze %dma_start3A_76 : memref<1x1x86xi32, #tpu.memory_space<hbm>> -> memref<86xi32, #tpu.memory_space<hbm>>
        tpu.enqueue_dma source(%dma_start3A_77 : memref<86xi32, #tpu.memory_space<hbm>>) target(%arg11 : memref<86xi32, #tpu.memory_space<vmem>>) target_semaphore(%run_scoped3A_71 : memref<!tpu.dma_semaphore, #tpu.memory_space<semaphore_mem>>)
        %dma_wait3A_78 = arith.constant 0 : i32
        %dma_wait3A_79 = tpu.memref_slice %arg3[%add3A_9, %run_scoped3A_32, %dma_wait3A_78] : memref<704x8x86xi32, #tpu.memory_space<hbm>> -> memref<1x1x86xi32, #tpu.memory_space<hbm>>
        %dma_wait3A_80 = tpu.memref_squeeze %dma_wait3A_79 : memref<1x1x86xi32, #tpu.memory_space<hbm>> -> memref<86xi32, #tpu.memory_space<hbm>>
        %dma_wait3A_81 = arith.constant 0 : i32
        %dma_wait3A_82 = tpu.memref_slice %arg3[%add3A_9, %run_scoped3A_32, %dma_wait3A_81] : memref<704x8x86xi32, #tpu.memory_space<hbm>> -> memref<1x1x86xi32, #tpu.memory_space<hbm>>
        %dma_wait3A_83 = tpu.memref_squeeze %dma_wait3A_82 : memref<1x1x86xi32, #tpu.memory_space<hbm>> -> memref<86xi32, #tpu.memory_space<hbm>>
        tpu.wait_dma2 semaphore(%run_scoped3A_71 : memref<!tpu.dma_semaphore, #tpu.memory_space<semaphore_mem>>) src(%dma_wait3A_83 : memref<86xi32, #tpu.memory_space<hbm>>) dst(%arg11 : memref<86xi32, #tpu.memory_space<vmem>>)
        tpu.yield
      }) : () -> ()
      %dma_start3A_33 = arith.constant 0 : i32
      %dma_start3A_34 = arith.constant 0 : i32
      %dma_start3A_35 = tpu.memref_slice %arg2[%dma_start3A_33, %dma_start3A_34] : memref<29585x128xf32, #tpu.memory_space<hbm>> -> memref<29585x128xf32, #tpu.memory_space<hbm>>
      tpu.enqueue_indirect_dma source(%dma_start3A_35 : memref<29585x128xf32, #tpu.memory_space<hbm>>) target(%arg19 : memref<86x128xf32, #tpu.memory_space<vmem>>) offsets(%arg11 : memref<86xi32, #tpu.memory_space<vmem>>) semaphore(%arg21 : memref<!tpu.dma_semaphore, #tpu.memory_space<semaphore_mem>>)
      %run_scoped3A_36 = arith.constant 7 : i32
      "tpu.region"() ({
        %run_scoped3A_71 = tpu.sem_alloc : memref<!tpu.dma_semaphore, #tpu.memory_space<semaphore_mem>>
        %dma_start3A_72 = arith.constant 0 : i32
        %dma_start3A_73 = tpu.memref_slice %arg3[%add3A_9, %run_scoped3A_36, %dma_start3A_72] : memref<704x8x86xi32, #tpu.memory_space<hbm>> -> memref<1x1x86xi32, #tpu.memory_space<hbm>>
        %dma_start3A_74 = tpu.memref_squeeze %dma_start3A_73 : memref<1x1x86xi32, #tpu.memory_space<hbm>> -> memref<86xi32, #tpu.memory_space<hbm>>
        %dma_start3A_75 = arith.constant 0 : i32
        %dma_start3A_76 = tpu.memref_slice %arg3[%add3A_9, %run_scoped3A_36, %dma_start3A_75] : memref<704x8x86xi32, #tpu.memory_space<hbm>> -> memref<1x1x86xi32, #tpu.memory_space<hbm>>
        %dma_start3A_77 = tpu.memref_squeeze %dma_start3A_76 : memref<1x1x86xi32, #tpu.memory_space<hbm>> -> memref<86xi32, #tpu.memory_space<hbm>>
        tpu.enqueue_dma source(%dma_start3A_77 : memref<86xi32, #tpu.memory_space<hbm>>) target(%arg12 : memref<86xi32, #tpu.memory_space<vmem>>) target_semaphore(%run_scoped3A_71 : memref<!tpu.dma_semaphore, #tpu.memory_space<semaphore_mem>>)
        %dma_wait3A_78 = arith.constant 0 : i32
        %dma_wait3A_79 = tpu.memref_slice %arg3[%add3A_9, %run_scoped3A_36, %dma_wait3A_78] : memref<704x8x86xi32, #tpu.memory_space<hbm>> -> memref<1x1x86xi32, #tpu.memory_space<hbm>>
        %dma_wait3A_80 = tpu.memref_squeeze %dma_wait3A_79 : memref<1x1x86xi32, #tpu.memory_space<hbm>> -> memref<86xi32, #tpu.memory_space<hbm>>
        %dma_wait3A_81 = arith.constant 0 : i32
        %dma_wait3A_82 = tpu.memref_slice %arg3[%add3A_9, %run_scoped3A_36, %dma_wait3A_81] : memref<704x8x86xi32, #tpu.memory_space<hbm>> -> memref<1x1x86xi32, #tpu.memory_space<hbm>>
        %dma_wait3A_83 = tpu.memref_squeeze %dma_wait3A_82 : memref<1x1x86xi32, #tpu.memory_space<hbm>> -> memref<86xi32, #tpu.memory_space<hbm>>
        tpu.wait_dma2 semaphore(%run_scoped3A_71 : memref<!tpu.dma_semaphore, #tpu.memory_space<semaphore_mem>>) src(%dma_wait3A_83 : memref<86xi32, #tpu.memory_space<hbm>>) dst(%arg12 : memref<86xi32, #tpu.memory_space<vmem>>)
        tpu.yield
      }) : () -> ()
      %dma_start3A_37 = arith.constant 0 : i32
      %dma_start3A_38 = arith.constant 0 : i32
      %dma_start3A_39 = tpu.memref_slice %arg2[%dma_start3A_37, %dma_start3A_38] : memref<29585x128xf32, #tpu.memory_space<hbm>> -> memref<29585x128xf32, #tpu.memory_space<hbm>>
      tpu.enqueue_indirect_dma source(%dma_start3A_39 : memref<29585x128xf32, #tpu.memory_space<hbm>>) target(%arg20 : memref<86x128xf32, #tpu.memory_space<vmem>>) offsets(%arg12 : memref<86xi32, #tpu.memory_space<vmem>>) semaphore(%arg21 : memref<!tpu.dma_semaphore, #tpu.memory_space<semaphore_mem>>)
      %dma_wait3A = arith.constant 0 : i32
      %dma_wait3A_40 = arith.constant 0 : i32
      %dma_wait3A_41 = tpu.memref_slice %arg2[%dma_wait3A, %dma_wait3A_40] : memref<29585x128xf32, #tpu.memory_space<hbm>> -> memref<29585x128xf32, #tpu.memory_space<hbm>>
      tpu.wait_indirect_dma semaphore(%arg21 : memref<!tpu.dma_semaphore, #tpu.memory_space<semaphore_mem>>) src(%dma_wait3A_41 : memref<29585x128xf32, #tpu.memory_space<hbm>>) dst(%arg13 : memref<86x128xf32, #tpu.memory_space<vmem>>)
      %dma_wait3A_42 = arith.constant 0 : i32
      %dma_wait3A_43 = arith.constant 0 : i32
      %dma_wait3A_44 = tpu.memref_slice %arg2[%dma_wait3A_42, %dma_wait3A_43] : memref<29585x128xf32, #tpu.memory_space<hbm>> -> memref<29585x128xf32, #tpu.memory_space<hbm>>
      tpu.wait_indirect_dma semaphore(%arg21 : memref<!tpu.dma_semaphore, #tpu.memory_space<semaphore_mem>>) src(%dma_wait3A_44 : memref<29585x128xf32, #tpu.memory_space<hbm>>) dst(%arg14 : memref<86x128xf32, #tpu.memory_space<vmem>>)
      %dma_wait3A_45 = arith.constant 0 : i32
      %dma_wait3A_46 = arith.constant 0 : i32
      %dma_wait3A_47 = tpu.memref_slice %arg2[%dma_wait3A_45, %dma_wait3A_46] : memref<29585x128xf32, #tpu.memory_space<hbm>> -> memref<29585x128xf32, #tpu.memory_space<hbm>>
      tpu.wait_indirect_dma semaphore(%arg21 : memref<!tpu.dma_semaphore, #tpu.memory_space<semaphore_mem>>) src(%dma_wait3A_47 : memref<29585x128xf32, #tpu.memory_space<hbm>>) dst(%arg15 : memref<86x128xf32, #tpu.memory_space<vmem>>)
      %dma_wait3A_48 = arith.constant 0 : i32
      %dma_wait3A_49 = arith.constant 0 : i32
      %dma_wait3A_50 = tpu.memref_slice %arg2[%dma_wait3A_48, %dma_wait3A_49] : memref<29585x128xf32, #tpu.memory_space<hbm>> -> memref<29585x128xf32, #tpu.memory_space<hbm>>
      tpu.wait_indirect_dma semaphore(%arg21 : memref<!tpu.dma_semaphore, #tpu.memory_space<semaphore_mem>>) src(%dma_wait3A_50 : memref<29585x128xf32, #tpu.memory_space<hbm>>) dst(%arg16 : memref<86x128xf32, #tpu.memory_space<vmem>>)
      %dma_wait3A_51 = arith.constant 0 : i32
      %dma_wait3A_52 = arith.constant 0 : i32
      %dma_wait3A_53 = tpu.memref_slice %arg2[%dma_wait3A_51, %dma_wait3A_52] : memref<29585x128xf32, #tpu.memory_space<hbm>> -> memref<29585x128xf32, #tpu.memory_space<hbm>>
      tpu.wait_indirect_dma semaphore(%arg21 : memref<!tpu.dma_semaphore, #tpu.memory_space<semaphore_mem>>) src(%dma_wait3A_53 : memref<29585x128xf32, #tpu.memory_space<hbm>>) dst(%arg17 : memref<86x128xf32, #tpu.memory_space<vmem>>)
      %dma_wait3A_54 = arith.constant 0 : i32
      %dma_wait3A_55 = arith.constant 0 : i32
      %dma_wait3A_56 = tpu.memref_slice %arg2[%dma_wait3A_54, %dma_wait3A_55] : memref<29585x128xf32, #tpu.memory_space<hbm>> -> memref<29585x128xf32, #tpu.memory_space<hbm>>
      tpu.wait_indirect_dma semaphore(%arg21 : memref<!tpu.dma_semaphore, #tpu.memory_space<semaphore_mem>>) src(%dma_wait3A_56 : memref<29585x128xf32, #tpu.memory_space<hbm>>) dst(%arg18 : memref<86x128xf32, #tpu.memory_space<vmem>>)
      %dma_wait3A_57 = arith.constant 0 : i32
      %dma_wait3A_58 = arith.constant 0 : i32
      %dma_wait3A_59 = tpu.memref_slice %arg2[%dma_wait3A_57, %dma_wait3A_58] : memref<29585x128xf32, #tpu.memory_space<hbm>> -> memref<29585x128xf32, #tpu.memory_space<hbm>>
      tpu.wait_indirect_dma semaphore(%arg21 : memref<!tpu.dma_semaphore, #tpu.memory_space<semaphore_mem>>) src(%dma_wait3A_59 : memref<29585x128xf32, #tpu.memory_space<hbm>>) dst(%arg19 : memref<86x128xf32, #tpu.memory_space<vmem>>)
      %dma_wait3A_60 = arith.constant 0 : i32
      %dma_wait3A_61 = arith.constant 0 : i32
      %dma_wait3A_62 = tpu.memref_slice %arg2[%dma_wait3A_60, %dma_wait3A_61] : memref<29585x128xf32, #tpu.memory_space<hbm>> -> memref<29585x128xf32, #tpu.memory_space<hbm>>
      tpu.wait_indirect_dma semaphore(%arg21 : memref<!tpu.dma_semaphore, #tpu.memory_space<semaphore_mem>>) src(%dma_wait3A_62 : memref<29585x128xf32, #tpu.memory_space<hbm>>) dst(%arg20 : memref<86x128xf32, #tpu.memory_space<vmem>>)
      %run_scoped3A_63 = arith.constant 0 : i32
      "tpu.region"() ({
        %run_scoped3A_71 = tpu.sem_alloc : memref<!tpu.dma_semaphore, #tpu.memory_space<semaphore_mem>>
        %dma_start3A_72 = arith.constant 0 : i32
        %dma_start3A_73 = arith.constant 0 : i32
        %dma_start3A_74 = tpu.memref_slice %arg4[%add3A_9, %run_scoped3A_63, %dma_start3A_72, %dma_start3A_73] : memref<704x8x86x128xf32, #tpu.memory_space<hbm>> -> memref<1x1x86x128xf32, #tpu.memory_space<hbm>>
        %dma_start3A_75 = tpu.memref_squeeze %dma_start3A_74 : memref<1x1x86x128xf32, #tpu.memory_space<hbm>> -> memref<86x128xf32, #tpu.memory_space<hbm>>
        %dma_start3A_76 = arith.constant 0 : i32
        %dma_start3A_77 = arith.constant 0 : i32
        %dma_start3A_78 = tpu.memref_slice %arg4[%add3A_9, %run_scoped3A_63, %dma_start3A_76, %dma_start3A_77] : memref<704x8x86x128xf32, #tpu.memory_space<hbm>> -> memref<1x1x86x128xf32, #tpu.memory_space<hbm>>
        %dma_start3A_79 = tpu.memref_squeeze %dma_start3A_78 : memref<1x1x86x128xf32, #tpu.memory_space<hbm>> -> memref<86x128xf32, #tpu.memory_space<hbm>>
        tpu.enqueue_dma source(%arg13 : memref<86x128xf32, #tpu.memory_space<vmem>>) target(%dma_start3A_79 : memref<86x128xf32, #tpu.memory_space<hbm>>) target_semaphore(%run_scoped3A_71 : memref<!tpu.dma_semaphore, #tpu.memory_space<semaphore_mem>>)
        %dma_wait3A_80 = arith.constant 0 : i32
        %dma_wait3A_81 = arith.constant 0 : i32
        %dma_wait3A_82 = tpu.memref_slice %arg4[%add3A_9, %run_scoped3A_63, %dma_wait3A_80, %dma_wait3A_81] : memref<704x8x86x128xf32, #tpu.memory_space<hbm>> -> memref<1x1x86x128xf32, #tpu.memory_space<hbm>>
        %dma_wait3A_83 = tpu.memref_squeeze %dma_wait3A_82 : memref<1x1x86x128xf32, #tpu.memory_space<hbm>> -> memref<86x128xf32, #tpu.memory_space<hbm>>
        %dma_wait3A_84 = arith.constant 0 : i32
        %dma_wait3A_85 = arith.constant 0 : i32
        %dma_wait3A_86 = tpu.memref_slice %arg4[%add3A_9, %run_scoped3A_63, %dma_wait3A_84, %dma_wait3A_85] : memref<704x8x86x128xf32, #tpu.memory_space<hbm>> -> memref<1x1x86x128xf32, #tpu.memory_space<hbm>>
        %dma_wait3A_87 = tpu.memref_squeeze %dma_wait3A_86 : memref<1x1x86x128xf32, #tpu.memory_space<hbm>> -> memref<86x128xf32, #tpu.memory_space<hbm>>
        tpu.wait_dma2 semaphore(%run_scoped3A_71 : memref<!tpu.dma_semaphore, #tpu.memory_space<semaphore_mem>>) src(%arg13 : memref<86x128xf32, #tpu.memory_space<vmem>>) dst(%dma_wait3A_87 : memref<86x128xf32, #tpu.memory_space<hbm>>)
        tpu.yield
      }) : () -> ()
      %run_scoped3A_64 = arith.constant 1 : i32
      "tpu.region"() ({
        %run_scoped3A_71 = tpu.sem_alloc : memref<!tpu.dma_semaphore, #tpu.memory_space<semaphore_mem>>
        %dma_start3A_72 = arith.constant 0 : i32
        %dma_start3A_73 = arith.constant 0 : i32
        %dma_start3A_74 = tpu.memref_slice %arg4[%add3A_9, %run_scoped3A_64, %dma_start3A_72, %dma_start3A_73] : memref<704x8x86x128xf32, #tpu.memory_space<hbm>> -> memref<1x1x86x128xf32, #tpu.memory_space<hbm>>
        %dma_start3A_75 = tpu.memref_squeeze %dma_start3A_74 : memref<1x1x86x128xf32, #tpu.memory_space<hbm>> -> memref<86x128xf32, #tpu.memory_space<hbm>>
        %dma_start3A_76 = arith.constant 0 : i32
        %dma_start3A_77 = arith.constant 0 : i32
        %dma_start3A_78 = tpu.memref_slice %arg4[%add3A_9, %run_scoped3A_64, %dma_start3A_76, %dma_start3A_77] : memref<704x8x86x128xf32, #tpu.memory_space<hbm>> -> memref<1x1x86x128xf32, #tpu.memory_space<hbm>>
        %dma_start3A_79 = tpu.memref_squeeze %dma_start3A_78 : memref<1x1x86x128xf32, #tpu.memory_space<hbm>> -> memref<86x128xf32, #tpu.memory_space<hbm>>
        tpu.enqueue_dma source(%arg14 : memref<86x128xf32, #tpu.memory_space<vmem>>) target(%dma_start3A_79 : memref<86x128xf32, #tpu.memory_space<hbm>>) target_semaphore(%run_scoped3A_71 : memref<!tpu.dma_semaphore, #tpu.memory_space<semaphore_mem>>)
        %dma_wait3A_80 = arith.constant 0 : i32
        %dma_wait3A_81 = arith.constant 0 : i32
        %dma_wait3A_82 = tpu.memref_slice %arg4[%add3A_9, %run_scoped3A_64, %dma_wait3A_80, %dma_wait3A_81] : memref<704x8x86x128xf32, #tpu.memory_space<hbm>> -> memref<1x1x86x128xf32, #tpu.memory_space<hbm>>
        %dma_wait3A_83 = tpu.memref_squeeze %dma_wait3A_82 : memref<1x1x86x128xf32, #tpu.memory_space<hbm>> -> memref<86x128xf32, #tpu.memory_space<hbm>>
        %dma_wait3A_84 = arith.constant 0 : i32
        %dma_wait3A_85 = arith.constant 0 : i32
        %dma_wait3A_86 = tpu.memref_slice %arg4[%add3A_9, %run_scoped3A_64, %dma_wait3A_84, %dma_wait3A_85] : memref<704x8x86x128xf32, #tpu.memory_space<hbm>> -> memref<1x1x86x128xf32, #tpu.memory_space<hbm>>
        %dma_wait3A_87 = tpu.memref_squeeze %dma_wait3A_86 : memref<1x1x86x128xf32, #tpu.memory_space<hbm>> -> memref<86x128xf32, #tpu.memory_space<hbm>>
        tpu.wait_dma2 semaphore(%run_scoped3A_71 : memref<!tpu.dma_semaphore, #tpu.memory_space<semaphore_mem>>) src(%arg14 : memref<86x128xf32, #tpu.memory_space<vmem>>) dst(%dma_wait3A_87 : memref<86x128xf32, #tpu.memory_space<hbm>>)
        tpu.yield
      }) : () -> ()
      %run_scoped3A_65 = arith.constant 2 : i32
      "tpu.region"() ({
        %run_scoped3A_71 = tpu.sem_alloc : memref<!tpu.dma_semaphore, #tpu.memory_space<semaphore_mem>>
        %dma_start3A_72 = arith.constant 0 : i32
        %dma_start3A_73 = arith.constant 0 : i32
        %dma_start3A_74 = tpu.memref_slice %arg4[%add3A_9, %run_scoped3A_65, %dma_start3A_72, %dma_start3A_73] : memref<704x8x86x128xf32, #tpu.memory_space<hbm>> -> memref<1x1x86x128xf32, #tpu.memory_space<hbm>>
        %dma_start3A_75 = tpu.memref_squeeze %dma_start3A_74 : memref<1x1x86x128xf32, #tpu.memory_space<hbm>> -> memref<86x128xf32, #tpu.memory_space<hbm>>
        %dma_start3A_76 = arith.constant 0 : i32
        %dma_start3A_77 = arith.constant 0 : i32
        %dma_start3A_78 = tpu.memref_slice %arg4[%add3A_9, %run_scoped3A_65, %dma_start3A_76, %dma_start3A_77] : memref<704x8x86x128xf32, #tpu.memory_space<hbm>> -> memref<1x1x86x128xf32, #tpu.memory_space<hbm>>
        %dma_start3A_79 = tpu.memref_squeeze %dma_start3A_78 : memref<1x1x86x128xf32, #tpu.memory_space<hbm>> -> memref<86x128xf32, #tpu.memory_space<hbm>>
        tpu.enqueue_dma source(%arg15 : memref<86x128xf32, #tpu.memory_space<vmem>>) target(%dma_start3A_79 : memref<86x128xf32, #tpu.memory_space<hbm>>) target_semaphore(%run_scoped3A_71 : memref<!tpu.dma_semaphore, #tpu.memory_space<semaphore_mem>>)
        %dma_wait3A_80 = arith.constant 0 : i32
        %dma_wait3A_81 = arith.constant 0 : i32
        %dma_wait3A_82 = tpu.memref_slice %arg4[%add3A_9, %run_scoped3A_65, %dma_wait3A_80, %dma_wait3A_81] : memref<704x8x86x128xf32, #tpu.memory_space<hbm>> -> memref<1x1x86x128xf32, #tpu.memory_space<hbm>>
        %dma_wait3A_83 = tpu.memref_squeeze %dma_wait3A_82 : memref<1x1x86x128xf32, #tpu.memory_space<hbm>> -> memref<86x128xf32, #tpu.memory_space<hbm>>
        %dma_wait3A_84 = arith.constant 0 : i32
        %dma_wait3A_85 = arith.constant 0 : i32
        %dma_wait3A_86 = tpu.memref_slice %arg4[%add3A_9, %run_scoped3A_65, %dma_wait3A_84, %dma_wait3A_85] : memref<704x8x86x128xf32, #tpu.memory_space<hbm>> -> memref<1x1x86x128xf32, #tpu.memory_space<hbm>>
        %dma_wait3A_87 = tpu.memref_squeeze %dma_wait3A_86 : memref<1x1x86x128xf32, #tpu.memory_space<hbm>> -> memref<86x128xf32, #tpu.memory_space<hbm>>
        tpu.wait_dma2 semaphore(%run_scoped3A_71 : memref<!tpu.dma_semaphore, #tpu.memory_space<semaphore_mem>>) src(%arg15 : memref<86x128xf32, #tpu.memory_space<vmem>>) dst(%dma_wait3A_87 : memref<86x128xf32, #tpu.memory_space<hbm>>)
        tpu.yield
      }) : () -> ()
      %run_scoped3A_66 = arith.constant 3 : i32
      "tpu.region"() ({
        %run_scoped3A_71 = tpu.sem_alloc : memref<!tpu.dma_semaphore, #tpu.memory_space<semaphore_mem>>
        %dma_start3A_72 = arith.constant 0 : i32
        %dma_start3A_73 = arith.constant 0 : i32
        %dma_start3A_74 = tpu.memref_slice %arg4[%add3A_9, %run_scoped3A_66, %dma_start3A_72, %dma_start3A_73] : memref<704x8x86x128xf32, #tpu.memory_space<hbm>> -> memref<1x1x86x128xf32, #tpu.memory_space<hbm>>
        %dma_start3A_75 = tpu.memref_squeeze %dma_start3A_74 : memref<1x1x86x128xf32, #tpu.memory_space<hbm>> -> memref<86x128xf32, #tpu.memory_space<hbm>>
        %dma_start3A_76 = arith.constant 0 : i32
        %dma_start3A_77 = arith.constant 0 : i32
        %dma_start3A_78 = tpu.memref_slice %arg4[%add3A_9, %run_scoped3A_66, %dma_start3A_76, %dma_start3A_77] : memref<704x8x86x128xf32, #tpu.memory_space<hbm>> -> memref<1x1x86x128xf32, #tpu.memory_space<hbm>>
        %dma_start3A_79 = tpu.memref_squeeze %dma_start3A_78 : memref<1x1x86x128xf32, #tpu.memory_space<hbm>> -> memref<86x128xf32, #tpu.memory_space<hbm>>
        tpu.enqueue_dma source(%arg16 : memref<86x128xf32, #tpu.memory_space<vmem>>) target(%dma_start3A_79 : memref<86x128xf32, #tpu.memory_space<hbm>>) target_semaphore(%run_scoped3A_71 : memref<!tpu.dma_semaphore, #tpu.memory_space<semaphore_mem>>)
        %dma_wait3A_80 = arith.constant 0 : i32
        %dma_wait3A_81 = arith.constant 0 : i32
        %dma_wait3A_82 = tpu.memref_slice %arg4[%add3A_9, %run_scoped3A_66, %dma_wait3A_80, %dma_wait3A_81] : memref<704x8x86x128xf32, #tpu.memory_space<hbm>> -> memref<1x1x86x128xf32, #tpu.memory_space<hbm>>
        %dma_wait3A_83 = tpu.memref_squeeze %dma_wait3A_82 : memref<1x1x86x128xf32, #tpu.memory_space<hbm>> -> memref<86x128xf32, #tpu.memory_space<hbm>>
        %dma_wait3A_84 = arith.constant 0 : i32
        %dma_wait3A_85 = arith.constant 0 : i32
        %dma_wait3A_86 = tpu.memref_slice %arg4[%add3A_9, %run_scoped3A_66, %dma_wait3A_84, %dma_wait3A_85] : memref<704x8x86x128xf32, #tpu.memory_space<hbm>> -> memref<1x1x86x128xf32, #tpu.memory_space<hbm>>
        %dma_wait3A_87 = tpu.memref_squeeze %dma_wait3A_86 : memref<1x1x86x128xf32, #tpu.memory_space<hbm>> -> memref<86x128xf32, #tpu.memory_space<hbm>>
        tpu.wait_dma2 semaphore(%run_scoped3A_71 : memref<!tpu.dma_semaphore, #tpu.memory_space<semaphore_mem>>) src(%arg16 : memref<86x128xf32, #tpu.memory_space<vmem>>) dst(%dma_wait3A_87 : memref<86x128xf32, #tpu.memory_space<hbm>>)
        tpu.yield
      }) : () -> ()
      %run_scoped3A_67 = arith.constant 4 : i32
      "tpu.region"() ({
        %run_scoped3A_71 = tpu.sem_alloc : memref<!tpu.dma_semaphore, #tpu.memory_space<semaphore_mem>>
        %dma_start3A_72 = arith.constant 0 : i32
        %dma_start3A_73 = arith.constant 0 : i32
        %dma_start3A_74 = tpu.memref_slice %arg4[%add3A_9, %run_scoped3A_67, %dma_start3A_72, %dma_start3A_73] : memref<704x8x86x128xf32, #tpu.memory_space<hbm>> -> memref<1x1x86x128xf32, #tpu.memory_space<hbm>>
        %dma_start3A_75 = tpu.memref_squeeze %dma_start3A_74 : memref<1x1x86x128xf32, #tpu.memory_space<hbm>> -> memref<86x128xf32, #tpu.memory_space<hbm>>
        %dma_start3A_76 = arith.constant 0 : i32
        %dma_start3A_77 = arith.constant 0 : i32
        %dma_start3A_78 = tpu.memref_slice %arg4[%add3A_9, %run_scoped3A_67, %dma_start3A_76, %dma_start3A_77] : memref<704x8x86x128xf32, #tpu.memory_space<hbm>> -> memref<1x1x86x128xf32, #tpu.memory_space<hbm>>
        %dma_start3A_79 = tpu.memref_squeeze %dma_start3A_78 : memref<1x1x86x128xf32, #tpu.memory_space<hbm>> -> memref<86x128xf32, #tpu.memory_space<hbm>>
        tpu.enqueue_dma source(%arg17 : memref<86x128xf32, #tpu.memory_space<vmem>>) target(%dma_start3A_79 : memref<86x128xf32, #tpu.memory_space<hbm>>) target_semaphore(%run_scoped3A_71 : memref<!tpu.dma_semaphore, #tpu.memory_space<semaphore_mem>>)
        %dma_wait3A_80 = arith.constant 0 : i32
        %dma_wait3A_81 = arith.constant 0 : i32
        %dma_wait3A_82 = tpu.memref_slice %arg4[%add3A_9, %run_scoped3A_67, %dma_wait3A_80, %dma_wait3A_81] : memref<704x8x86x128xf32, #tpu.memory_space<hbm>> -> memref<1x1x86x128xf32, #tpu.memory_space<hbm>>
        %dma_wait3A_83 = tpu.memref_squeeze %dma_wait3A_82 : memref<1x1x86x128xf32, #tpu.memory_space<hbm>> -> memref<86x128xf32, #tpu.memory_space<hbm>>
        %dma_wait3A_84 = arith.constant 0 : i32
        %dma_wait3A_85 = arith.constant 0 : i32
        %dma_wait3A_86 = tpu.memref_slice %arg4[%add3A_9, %run_scoped3A_67, %dma_wait3A_84, %dma_wait3A_85] : memref<704x8x86x128xf32, #tpu.memory_space<hbm>> -> memref<1x1x86x128xf32, #tpu.memory_space<hbm>>
        %dma_wait3A_87 = tpu.memref_squeeze %dma_wait3A_86 : memref<1x1x86x128xf32, #tpu.memory_space<hbm>> -> memref<86x128xf32, #tpu.memory_space<hbm>>
        tpu.wait_dma2 semaphore(%run_scoped3A_71 : memref<!tpu.dma_semaphore, #tpu.memory_space<semaphore_mem>>) src(%arg17 : memref<86x128xf32, #tpu.memory_space<vmem>>) dst(%dma_wait3A_87 : memref<86x128xf32, #tpu.memory_space<hbm>>)
        tpu.yield
      }) : () -> ()
      %run_scoped3A_68 = arith.constant 5 : i32
      "tpu.region"() ({
        %run_scoped3A_71 = tpu.sem_alloc : memref<!tpu.dma_semaphore, #tpu.memory_space<semaphore_mem>>
        %dma_start3A_72 = arith.constant 0 : i32
        %dma_start3A_73 = arith.constant 0 : i32
        %dma_start3A_74 = tpu.memref_slice %arg4[%add3A_9, %run_scoped3A_68, %dma_start3A_72, %dma_start3A_73] : memref<704x8x86x128xf32, #tpu.memory_space<hbm>> -> memref<1x1x86x128xf32, #tpu.memory_space<hbm>>
        %dma_start3A_75 = tpu.memref_squeeze %dma_start3A_74 : memref<1x1x86x128xf32, #tpu.memory_space<hbm>> -> memref<86x128xf32, #tpu.memory_space<hbm>>
        %dma_start3A_76 = arith.constant 0 : i32
        %dma_start3A_77 = arith.constant 0 : i32
        %dma_start3A_78 = tpu.memref_slice %arg4[%add3A_9, %run_scoped3A_68, %dma_start3A_76, %dma_start3A_77] : memref<704x8x86x128xf32, #tpu.memory_space<hbm>> -> memref<1x1x86x128xf32, #tpu.memory_space<hbm>>
        %dma_start3A_79 = tpu.memref_squeeze %dma_start3A_78 : memref<1x1x86x128xf32, #tpu.memory_space<hbm>> -> memref<86x128xf32, #tpu.memory_space<hbm>>
        tpu.enqueue_dma source(%arg18 : memref<86x128xf32, #tpu.memory_space<vmem>>) target(%dma_start3A_79 : memref<86x128xf32, #tpu.memory_space<hbm>>) target_semaphore(%run_scoped3A_71 : memref<!tpu.dma_semaphore, #tpu.memory_space<semaphore_mem>>)
        %dma_wait3A_80 = arith.constant 0 : i32
        %dma_wait3A_81 = arith.constant 0 : i32
        %dma_wait3A_82 = tpu.memref_slice %arg4[%add3A_9, %run_scoped3A_68, %dma_wait3A_80, %dma_wait3A_81] : memref<704x8x86x128xf32, #tpu.memory_space<hbm>> -> memref<1x1x86x128xf32, #tpu.memory_space<hbm>>
        %dma_wait3A_83 = tpu.memref_squeeze %dma_wait3A_82 : memref<1x1x86x128xf32, #tpu.memory_space<hbm>> -> memref<86x128xf32, #tpu.memory_space<hbm>>
        %dma_wait3A_84 = arith.constant 0 : i32
        %dma_wait3A_85 = arith.constant 0 : i32
        %dma_wait3A_86 = tpu.memref_slice %arg4[%add3A_9, %run_scoped3A_68, %dma_wait3A_84, %dma_wait3A_85] : memref<704x8x86x128xf32, #tpu.memory_space<hbm>> -> memref<1x1x86x128xf32, #tpu.memory_space<hbm>>
        %dma_wait3A_87 = tpu.memref_squeeze %dma_wait3A_86 : memref<1x1x86x128xf32, #tpu.memory_space<hbm>> -> memref<86x128xf32, #tpu.memory_space<hbm>>
        tpu.wait_dma2 semaphore(%run_scoped3A_71 : memref<!tpu.dma_semaphore, #tpu.memory_space<semaphore_mem>>) src(%arg18 : memref<86x128xf32, #tpu.memory_space<vmem>>) dst(%dma_wait3A_87 : memref<86x128xf32, #tpu.memory_space<hbm>>)
        tpu.yield
      }) : () -> ()
      %run_scoped3A_69 = arith.constant 6 : i32
      "tpu.region"() ({
        %run_scoped3A_71 = tpu.sem_alloc : memref<!tpu.dma_semaphore, #tpu.memory_space<semaphore_mem>>
        %dma_start3A_72 = arith.constant 0 : i32
        %dma_start3A_73 = arith.constant 0 : i32
        %dma_start3A_74 = tpu.memref_slice %arg4[%add3A_9, %run_scoped3A_69, %dma_start3A_72, %dma_start3A_73] : memref<704x8x86x128xf32, #tpu.memory_space<hbm>> -> memref<1x1x86x128xf32, #tpu.memory_space<hbm>>
        %dma_start3A_75 = tpu.memref_squeeze %dma_start3A_74 : memref<1x1x86x128xf32, #tpu.memory_space<hbm>> -> memref<86x128xf32, #tpu.memory_space<hbm>>
        %dma_start3A_76 = arith.constant 0 : i32
        %dma_start3A_77 = arith.constant 0 : i32
        %dma_start3A_78 = tpu.memref_slice %arg4[%add3A_9, %run_scoped3A_69, %dma_start3A_76, %dma_start3A_77] : memref<704x8x86x128xf32, #tpu.memory_space<hbm>> -> memref<1x1x86x128xf32, #tpu.memory_space<hbm>>
        %dma_start3A_79 = tpu.memref_squeeze %dma_start3A_78 : memref<1x1x86x128xf32, #tpu.memory_space<hbm>> -> memref<86x128xf32, #tpu.memory_space<hbm>>
        tpu.enqueue_dma source(%arg19 : memref<86x128xf32, #tpu.memory_space<vmem>>) target(%dma_start3A_79 : memref<86x128xf32, #tpu.memory_space<hbm>>) target_semaphore(%run_scoped3A_71 : memref<!tpu.dma_semaphore, #tpu.memory_space<semaphore_mem>>)
        %dma_wait3A_80 = arith.constant 0 : i32
        %dma_wait3A_81 = arith.constant 0 : i32
        %dma_wait3A_82 = tpu.memref_slice %arg4[%add3A_9, %run_scoped3A_69, %dma_wait3A_80, %dma_wait3A_81] : memref<704x8x86x128xf32, #tpu.memory_space<hbm>> -> memref<1x1x86x128xf32, #tpu.memory_space<hbm>>
        %dma_wait3A_83 = tpu.memref_squeeze %dma_wait3A_82 : memref<1x1x86x128xf32, #tpu.memory_space<hbm>> -> memref<86x128xf32, #tpu.memory_space<hbm>>
        %dma_wait3A_84 = arith.constant 0 : i32
        %dma_wait3A_85 = arith.constant 0 : i32
        %dma_wait3A_86 = tpu.memref_slice %arg4[%add3A_9, %run_scoped3A_69, %dma_wait3A_84, %dma_wait3A_85] : memref<704x8x86x128xf32, #tpu.memory_space<hbm>> -> memref<1x1x86x128xf32, #tpu.memory_space<hbm>>
        %dma_wait3A_87 = tpu.memref_squeeze %dma_wait3A_86 : memref<1x1x86x128xf32, #tpu.memory_space<hbm>> -> memref<86x128xf32, #tpu.memory_space<hbm>>
        tpu.wait_dma2 semaphore(%run_scoped3A_71 : memref<!tpu.dma_semaphore, #tpu.memory_space<semaphore_mem>>) src(%arg19 : memref<86x128xf32, #tpu.memory_space<vmem>>) dst(%dma_wait3A_87 : memref<86x128xf32, #tpu.memory_space<hbm>>)
        tpu.yield
      }) : () -> ()
      %run_scoped3A_70 = arith.constant 7 : i32
      "tpu.region"() ({
        %run_scoped3A_71 = tpu.sem_alloc : memref<!tpu.dma_semaphore, #tpu.memory_space<semaphore_mem>>
        %dma_start3A_72 = arith.constant 0 : i32
        %dma_start3A_73 = arith.constant 0 : i32
        %dma_start3A_74 = tpu.memref_slice %arg4[%add3A_9, %run_scoped3A_70, %dma_start3A_72, %dma_start3A_73] : memref<704x8x86x128xf32, #tpu.memory_space<hbm>> -> memref<1x1x86x128xf32, #tpu.memory_space<hbm>>
        %dma_start3A_75 = tpu.memref_squeeze %dma_start3A_74 : memref<1x1x86x128xf32, #tpu.memory_space<hbm>> -> memref<86x128xf32, #tpu.memory_space<hbm>>
        %dma_start3A_76 = arith.constant 0 : i32
        %dma_start3A_77 = arith.constant 0 : i32
        %dma_start3A_78 = tpu.memref_slice %arg4[%add3A_9, %run_scoped3A_70, %dma_start3A_76, %dma_start3A_77] : memref<704x8x86x128xf32, #tpu.memory_space<hbm>> -> memref<1x1x86x128xf32, #tpu.memory_space<hbm>>
        %dma_start3A_79 = tpu.memref_squeeze %dma_start3A_78 : memref<1x1x86x128xf32, #tpu.memory_space<hbm>> -> memref<86x128xf32, #tpu.memory_space<hbm>>
        tpu.enqueue_dma source(%arg20 : memref<86x128xf32, #tpu.memory_space<vmem>>) target(%dma_start3A_79 : memref<86x128xf32, #tpu.memory_space<hbm>>) target_semaphore(%run_scoped3A_71 : memref<!tpu.dma_semaphore, #tpu.memory_space<semaphore_mem>>)
        %dma_wait3A_80 = arith.constant 0 : i32
        %dma_wait3A_81 = arith.constant 0 : i32
        %dma_wait3A_82 = tpu.memref_slice %arg4[%add3A_9, %run_scoped3A_70, %dma_wait3A_80, %dma_wait3A_81] : memref<704x8x86x128xf32, #tpu.memory_space<hbm>> -> memref<1x1x86x128xf32, #tpu.memory_space<hbm>>
        %dma_wait3A_83 = tpu.memref_squeeze %dma_wait3A_82 : memref<1x1x86x128xf32, #tpu.memory_space<hbm>> -> memref<86x128xf32, #tpu.memory_space<hbm>>
        %dma_wait3A_84 = arith.constant 0 : i32
        %dma_wait3A_85 = arith.constant 0 : i32
        %dma_wait3A_86 = tpu.memref_slice %arg4[%add3A_9, %run_scoped3A_70, %dma_wait3A_84, %dma_wait3A_85] : memref<704x8x86x128xf32, #tpu.memory_space<hbm>> -> memref<1x1x86x128xf32, #tpu.memory_space<hbm>>
        %dma_wait3A_87 = tpu.memref_squeeze %dma_wait3A_86 : memref<1x1x86x128xf32, #tpu.memory_space<hbm>> -> memref<86x128xf32, #tpu.memory_space<hbm>>
        tpu.wait_dma2 semaphore(%run_scoped3A_71 : memref<!tpu.dma_semaphore, #tpu.memory_space<semaphore_mem>>) src(%arg20 : memref<86x128xf32, #tpu.memory_space<vmem>>) dst(%dma_wait3A_87 : memref<86x128xf32, #tpu.memory_space<hbm>>)
        tpu.yield
      }) : () -> ()
    }
    %scan3A_5 = arith.constant 22 : i32
    return
  }
}

</mosaic_0001>

<sc_bundles>
// kernel: kernel.3.cloned.1.call-start
scs
__scs_entry_jumppad:
0x0: {  	(pc) =	sbr.rel $0x88, $3  }
0x1: {  	(tag) =	ssettag $0x0;
	lr =	simm.s32 $0x1  }
0x2: {  	[smem:$0x3F96] =	sst lr;
	_ =	strace $0xD0000000  }
0x3: {  	_ = 	snop  }
0x4: {  	_ = 	snop  }
0x5: {  	_ = 	snop  }
0x6: {  	_ = 	snop  }
0x7: {  	_ = 	snop  }
__scs_overlays_trampoline_lowered:
0x8: {  	[smem:$0x3FA5] =	sst s0  }
0x9: {  	[smem:$0x3FA6] =	sst s1  }
0xa: {  	[smem:$0x3FA7] =	sst s2  }
0xb: {  	[smem:$0x3FA8] =	sst s3  }
0xc: {  	[smem:$0x3FA9] =	sst s4  }
0xd: {  	[smem:$0x3FAA] =	sst s5  }
0xe: {  	[smem:$0x3FAB] =	sst s6  }
0xf: {  	[smem:$0x3FAC] =	sst s7  }
0x10: {  	[smem:$0x3FAD] =	sst s8  }
0x11: {  	[smem:$0x3FAE] =	sst s9;
	s0 =	simm.s32 @!p0 $0x0  }
0x12: {  	s1 =	sld [smem:$0x3F94];
	s0 =	simm.s32 @p0 $0x1  }
0x13: {  	[smem:$0x3FAF] =	sst s0;
	s0 =	simm.s32 @!p1 $0x0  }
0x14: {  	s2 =	sld [smem:$0x3F93];
	s0 =	simm.s32 @p1 $0x1  }
0x15: {  	[smem:$0x3FB0] =	sst s0;
	s0 =	simm.s32 @!p2 $0x0  }
0x16: {  	s3 =	sld [smem:$0x3FDB];
	s0 =	simm.s32 @p2 $0x1  }
0x17: {  	s4 =	simm.s32 $0x1BF5;
	[smem:$0x3FB2] =	sst s0  }
0x18: {  	s0 =	sld [smem:$0x3F95];
	_ =	swait.ge [sflag:s4], $0x0  }
0x19: {  	s7 =	sld [smem:$0x3F96]  }
0x1a: {  	s8 =	sadd.s32 $0xFFFFE003, lr  }
0x1b: {  	s9 =	sadd.s32 $0xFFFFFEF7, lr;
	s5 =	simm.s32 $0xFFFFFFFF;
	p2 =	slt.u32 s8, $0xFFFFF086  }
0x1c: {  	p1 =	slt.u32 s9, $0xF7A;
	s5 =	simm.s32 @!p2 $0x0  }
0x1d: {  	s5 =	simm.s32 @p1 $0x1;
	p0 =	seq.s32 s7, s2  }
0x1e: {  	s7 =	smul.u32 @!p0 $0xF7A, s2;
	p2 =	seq.s32 @!p0 s5, $0x0  }
0x1f: {  	s9 =	smul.u32 $0xF7A, s1;
	s8 =	simm.s32 @!p0 $0x1BF5;
	p2 =	por !p2, p0  }
0x20: {  	[sflag:s8] =	ssyncset.s32 @!p0 $0xFFFFF086;
	s6 =	sadd.s32 @!p0 s3, s7;
	s7 =	simm.s32 @!p0 $0x108  }
0x21: {  	s3 =	sadd.s32 s3, s9;
	s6 =	sadd.s32 @!p0 $0x88, s6;
	s7 =	simm.s32 @p2 $0x1082  }
0x22: {  	[simem:s7], [sflag:s8] =	dma.local @!p0 [hbm:s6], $0xF7A  }
0x23: {  	s9 =	sor.u32 $0xD0000000, s2;
	s6 =	simm.s32 $0x108;
	_ =	swait.ge @!p0 [sflag:s8], $0x0  }
0x24: {  	s3 =	sadd.s32 $0x88, s3;
	s6 =	simm.s32 @!p1 $0x1082;
	[sflag:s4] =	ssyncset.s32 $0xFFFFF086  }
0x25: {  	[simem:s6], [sflag:s4] =	dma.local [hbm:s3], $0xF7A  }
0x26: {  	[smem:$0x3F96] =	sst s1;
	(tag) =	ssettag s2;
	_ =	strace s9  }
0x27: {  	s1 =	sld [smem:$0x3FA6]  }
0x28: {  	s2 =	sld [smem:$0x3FA7]  }
0x29: {  	s4 =	sld [smem:$0x3FA9]  }
0x2a: {  	p0 =	seq.s32 s5, $0x0;
	s5 =	sld [smem:$0x3FAA]  }
0x2b: {  	s6 =	sld [smem:$0x3FAB]  }
0x2c: {  	s7 =	sld [smem:$0x3FAC]  }
0x2d: {  	s3 =	simm.s32 $0x108;
	s8 =	sld [smem:$0x3FAD]  }
0x2e: {  	s3 =	simm.s32 @!p0 $0x1082;
	s9 =	sld [smem:$0x3FAE]  }
0x2f: {  	lr =	sadd.s32 s0, s3;
	s0 =	sld [smem:$0x3FA5]  }
0x30: {  	s3 =	sld [smem:$0x3FA8]  }
0x31: {  	[smem:$0x3FB1] =	sst s10  }
0x32: {  	s10 =	sld [smem:$0x3FAF];
	_ =	sdelay $0x3  }
0x33: {  	p0 =	seq.s32 s10, $0x1;
	s10 =	sld [smem:$0x3FB1];
	_ =	sdelay $0x3  }
0x34: {  	[smem:$0x3FB1] =	sst s10  }
0x35: {  	s10 =	sld [smem:$0x3FB0];
	_ =	sdelay $0x3  }
0x36: {  	p1 =	seq.s32 s10, $0x1;
	s10 =	sld [smem:$0x3FB1];
	_ =	sdelay $0x3  }
0x37: {  	[smem:$0x3FB1] =	sst s10  }
0x38: {  	s10 =	sld [smem:$0x3FB2]  }
0x39: {  	_ = 	snop;
	(pc) =	sbr.ind lr, $3  }
0x3a: {  	_ = 	snop  }
0x3b: {  	_ = 	snop  }
0x3c: {  	p2 =	seq.s32 s10, $0x1;
	s10 =	sld [smem:$0x3FB1]  }
0x3d: {  	_ =	shalt  }
0x3e: {  	_ =	shalt  }
0x3f: {  	_ =	shalt  }
0x40: {  	_ =	shalt  }
0x41: {  	_ =	shalt  }
0x42: {  	_ =	shalt  }
0x43: {  	_ =	shalt  }
0x44: {  	_ =	shalt  }
0x45: {  	_ =	shalt  }
0x46: {  	_ =	shalt  }
0x47: {  	_ =	shalt  }
0x48: {  	_ =	shalt  }
0x49: {  	_ =	shalt  }
0x4a: {  	_ =	shalt  }
0x4b: {  	_ =	shalt  }
0x4c: {  	_ =	shalt  }
0x4d: {  	_ =	shalt  }
0x4e: {  	_ =	shalt  }
0x4f: {  	_ =	shalt  }
0x50: {  	_ =	shalt  }
0x51: {  	_ =	shalt  }
0x52: {  	_ =	shalt  }
0x53: {  	_ =	shalt  }
0x54: {  	_ =	shalt  }
0x55: {  	_ =	shalt  }
0x56: {  	_ =	shalt  }
0x57: {  	_ =	shalt  }
0x58: {  	_ =	shalt  }
0x59: {  	_ =	shalt  }
0x5a: {  	_ =	shalt  }
0x5b: {  	_ =	shalt  }
0x5c: {  	_ =	shalt  }
0x5d: {  	_ =	shalt  }
0x5e: {  	_ =	shalt  }
0x5f: {  	_ =	shalt  }
0x60: {  	_ =	shalt  }
0x61: {  	_ =	shalt  }
0x62: {  	_ =	shalt  }
0x63: {  	_ =	shalt  }
0x64: {  	_ =	shalt  }
0x65: {  	_ =	shalt  }
0x66: {  	_ =	shalt  }
0x67: {  	_ =	shalt  }
0x68: {  	_ =	shalt  }
0x69: {  	_ =	shalt  }
0x6a: {  	_ =	shalt  }
0x6b: {  	_ =	shalt  }
0x6c: {  	_ =	shalt  }
0x6d: {  	_ =	shalt  }
0x6e: {  	_ =	shalt  }
0x6f: {  	_ =	shalt  }
0x70: {  	_ =	shalt  }
0x71: {  	_ =	shalt  }
0x72: {  	_ =	shalt  }
0x73: {  	_ =	shalt  }
0x74: {  	_ =	shalt  }
0x75: {  	_ =	shalt  }
0x76: {  	_ =	shalt  }
0x77: {  	_ =	shalt  }
0x78: {  	_ =	shalt  }
0x79: {  	_ =	shalt  }
0x7a: {  	_ =	shalt  }
0x7b: {  	_ =	shalt  }
0x7c: {  	_ =	shalt  }
0x7d: {  	_ =	shalt  }
0x7e: {  	_ =	shalt  }
0x7f: {  	_ =	shalt  }
0x80: {  	_ =	shalt  }
0x81: {  	_ =	shalt  }
0x82: {  	_ =	shalt  }
0x83: {  	_ =	shalt  }
0x84: {  	_ =	shalt  }
0x85: {  	_ =	shalt  }
0x86: {  	_ =	shalt  }
0x87: {  	_ =	shalt  }
.Lfunc_end0:
.L_simem_size_0:
called_computation.1_lowered:
.L_overlay_start_0:
0x88: {  	s2 =	sld [smem:$0x3FD9]  }
0x89: {  	s3 =	sld [smem:$0x3FFE];
	_ =	sdelay $0x1  }
0x8a: {  	s1 =	srdreg.scid  }
0x8b: {  	s0 =	sand.u32 $0x1, s1  }
0x8c: {  	s17 =	sshll.u32 s0, $0xA;
	s2 =	sadd.s32 s3, s2  }
0x8d: {  	s2 =	sadd.s32 s2, s17  }
0x8e: {  	[smem:$0x3FBD] =	sst s2  }
0x8f: {  	_ = 	snop  }
0x90: {  	s2 =	sld [smem:$0x3FD0];
	(tm) =	ssettm $0x1  }
0x91: {  	s18 =	sld [smem:$0x3FFB];
	_ =	sdelay $0x3  }
0x92: {  	_ =	strace s18  }
0x93: {  	s3 =	sld [smem:$0x3FFC];
	_ =	sdelay $0x3  }
0x94: {  	_ =	strace s3  }
0x95: {  	s3 =	sld [smem:$0x3FFD];
	_ =	sdelay $0x3  }
0x96: {  	_ =	strace s3  }
0x97: {  	_ =	strace $0x8FFFFFFF  }
0x98: {  	s19 =	sld [smem:$0x3FDB];
	_ =	sdelay $0x1  }
0x99: {  	s4 =	simm.s32 $_scs_section_size  }
0x9a: {  	s5 =	simm.s32 $_size__tile_overlayer_lowered;
	s6 =	simm.s32 $_tile_overlayer_lowered  }
0x9b: {  	s22 =	simm.s32 $0x1BFF;
	s21 =	sshll.u32 s6, $0x1;
	s3 =	sadd.s32 s4, s19  }
0x9c: {  	s7 =	simm.s32 $0x0;
	s20 =	sshll.u32 s5, $0x1;
	s5 =	sadd.s32 s21, s3  }
0x9d: {  	[timem:s7], [sflag:s22] =	dma.local [hbm:s5], s20  }
0x9e: {  	_ =	swait.ge [sflag:s22], s20  }
0x9f: {  	s4 =	ssub.s32 $0x0, s20;
	[sflag:s22] =	ssyncset.done $0x0  }
0xa0: {  	[sflag:s22] =	ssyncadd.s32 s4;
	_ =	sdelay $0x1  }
0xa1: {  	s23 =	simm.s32 $0x1B8B  }
0xa2: {  	_ =	swait.ge [sflag:s23], $0x1  }
0xa3: {  	[sflag:s23] =	ssyncset.done $0x0  }
0xa4: {  	s25 =	simm.s32 $0x1B8E;
	s24 =	sld [smem:$0x3FFE];
	[sflag:s23] =	ssyncadd.s32 $0xFFFFFFFF  }
0xa5: {  	s26 =	simm.s32 $execute0_lowered;
	[smem:$0x3FD2] =	sst s25  }
0xa6: {  	s5 =	sshll.u32 s26, $0x1;
	_ =	strace $0x80000046;
	[dreg:$0x1] =	wrdreg $0xFFFFFFFF  }
0xa7: {  	s28 =	simm.s32 $_size_execute0_lowered;
	s3 =	sadd.s32 s3, s5;
	[dreg:$0x0] =	wrdreg $0x0  }
0xa8: {  	s5 =	sshll.u32 s28, $0x1;
	[dreg:$0x2] =	wrdreg s3  }
0xa9: {  	[dreg:$0x3] =	wrdreg s5  }
0xaa: {  	[dreg:$0x4] =	wrdreg $0xC0  }
0xab: {  	_ =	task [dreg:s7], $0x5FFFF  }
0xac: {  	[dreg:$0x1] =	wrdreg $0xFFFFFFFF  }
0xad: {  	[dreg:$0x0] =	wrdreg $0x60  }
0xae: {  	[dreg:$0x2] =	wrdreg s2  }
0xaf: {  	[dreg:$0x3] =	wrdreg s24  }
0xb0: {  	[dreg:$0x4] =	wrdreg $0x9  }
0xb1: {  	_ =	task.clear_ibuf [dreg:s7], $0x5FFFF;
	_ =	strace $0x90000046  }
0xb2: {  	s29 =	simm.s32 $0x9;
	_ =	strace $0x80000048  }
0xb3: {  	_ =	swait.ge [sflag:s29], $0x1  }
0xb4: {  	[sflag:s29] =	ssyncadd.s32 $0xFFFFFFFF  }
0xb5: {  	_ =	strace $0x90000048  }
0xb6: {  	_ =	sfence  }
0xb7: {  	s30 =	sld [smem:$0x0];
	_ =	sdelay $0x2  }
0xb8: {  	s31 =	sshll.u32 s1, $0xD;
	s1 =	sshrl.u32 s1, $0x2  }
0xb9: {  	s3 =	sand.u32 $0x4000, s31;
	s1 =	sadd.s32 s1, s30  }
0xba: {  	s0 =	sor.u32 s3, s0;
	s1 =	sshll.u32 s1, $0x11  }
0xbb: {  	s0 =	sor.u32 s1, s0  }
0xbc: {  	s0 =	sadd.s32 $0x8F2B, s0  }
0xbd: {  	[sflag:s0] =	ssyncadd.remote.s32 $0x1  }
0xbe: {  	_ =	sfence.sel $0xFFFF  }
0xbf: {  	[dreg:$0x0] =	wrdreg $0xFFFFFFFF;
	(pc) =	sbr.abs _section_cstart, $3  }
0xc0: {  	[dreg:$0x1] =	wrdreg $0xFFFFFFFF  }
0xc1: {  	_ =	task.clear_ibuf [dreg:s7], $0x2FFFF;
	_ =	strace $0x9FFFFFFF  }
0xc2: {  	(tm) =	ssettm $0x7FFFFFFF  }
0xc3: {  	_ =	shalt  }
tec
execute0_lowered:
.L_overlay_start_1:
0x0: {  	(tag) =	ssettag $0x1  }
0x1: {  	s2 =	rddreg [dreg:$0x0]  }
0x2: {  	s5 =	rddreg [dreg:$0x1]  }
0x3: {  	s0 =	rddreg [dreg:$0x2];
	s1 =	stileid.u32  }
0x4: {  	s4 =	srdreg.scid;
	s3 =	simm.s32 $0x0;
	s11 =	simm.s32 $0x100  }
0x5: {  	s12 =	simm.s32 $0x5C00;
	s13 =	simm.s32 $0x180;
	s6 =	smul.u32 $0x1600, s1  }
0x6: {  	s14 =	simm.s32 $0x8800;
	s7 =	sand.u32 $0x1, s4;
	s8 =	smul.u32 $0x3C8000, s1  }
0x7: {  	s15 =	simm.s32 $0x200;
	[smem:$0x7FF] =	sst s3;
	s9 =	smul.u32 $0x1E4000, s7  }
0x8: {  	s4 =	sadd.s32 $0x16000, s5;
	s10 =	smul.u32 $0xB00, s7;
	s7 =	ssub.s32 $0x2, s7  }
0x9: {  	_ =	strace $0x80000047;
	s5 =	sadd.s32 s6, s5;
	s30 =	sshrl.u32 s7, $0x1  }
0xa: {  	s16 =	sadd.s32 s9, s8;
	s5 =	sadd.s32 s10, s5;
	s7 =	ssub.s32 s7, s30  }
0xb: {  	s9 =	simm.s32 $0x80;
	s10 =	simm.s32 $0x3000;
	s8 =	sadd.s32 $0x13400, s16  }
0xc: {  	[dreg:$0x3] =	wrdreg s5;
	s18 =	sadd.s32 $0x10800, s16;
	s20 =	sadd.s32 $0xDC00, s16  }
0xd: {  	s22 =	sadd.s32 $0xB000, s16;
	s24 =	sadd.s32 $0x8400, s16;
	s26 =	sadd.s32 $0x5800, s16  }
0xe: {  	s29 =	sor.u32 $0x2C00, s16;
	s6 =	sshrl.u32 s16, $0x3;
	s5 =	smax.u32 s7, $0x1  }
0xf: {  	s7 =	simm.s32 $0x56;
	s17 =	sshrl.u32 s8, $0x3;
	[dreg:$0xb] =	wrdreg s6  }
0x10: {  	s16 =	simm.s32 $0xB400;
	s19 =	sshrl.u32 s18, $0x3;
	[dreg:$0x4] =	wrdreg s17  }
0x11: {  	s21 =	sshrl.u32 s20, $0x3;
	s23 =	sshrl.u32 s22, $0x3;
	[dreg:$0x5] =	wrdreg s19  }
0x12: {  	s25 =	sshrl.u32 s24, $0x3;
	s28 =	sshrl.u32 s26, $0x3;
	[dreg:$0x6] =	wrdreg s21  }
0x13: {  	s31 =	sshrl.u32 s29, $0x3;
	s6 =	simm.s32 $0x2;
	[dreg:$0x7] =	wrdreg s23  }
0x14: {  	s8 =	simm.s32 $0x400;
	s18 =	simm.s32 $0xE000;
	[dreg:$0x8] =	wrdreg s25  }
0x15: {  	s20 =	simm.s32 $0x10C00;
	s22 =	simm.s32 $0x13800;
	[dreg:$0x9] =	wrdreg s28  }
0x16: {  	s24 =	simm.s32 $0x0;
	[dreg:$0xa] =	wrdreg s31;
	s17 =	simm.s32 $0x280  }
0x17: {  	s19 =	simm.s32 $0x300;
	s21 =	simm.s32 $0x380;
	s23 =	simm.s32 $0x1  }
.LBB2_1:
0x18: {  	s25 =	rddreg [dreg:$0x3]  }
0x19: {  	s25 =	sadd.s32 $0x0, s25  }
0x1a: {  	[tilespmem:s3], [sflag:$0x2] =	stream.linear.gather [hbm4b:s25+s3], $0x80, $0x38;
	[tilespmem:$0x16400] =	vst v63  }
0x1b: {  	_ =	swait.ge [sflag:s6], $0x80  }
0x1c: {  	[sflag:s6] =	ssyncset.done $0x0  }
0x1d: {  	[sflag:s6] =	ssyncadd.s32 $0xFFFFFF80  }
0x1e: {  	[tilespmem:s8], [sflag:$0x1] =	stream.indirect.gather [hbm4b:s2+s7], $0x80, s3, s7, $0xb8;
	[tilespmem:$0x16400] =	vst v63  }
0x1f: {  	s26 =	sadd.s32 $0x10, s25  }
0x20: {  	[tilespmem:s9], [sflag:$0x2] =	stream.linear.gather [hbm4b:s26+s3], $0x80, $0x38;
	[tilespmem:$0x16400] =	vst v63  }
0x21: {  	_ =	swait.ge [sflag:s6], $0x80  }
0x22: {  	[sflag:s6] =	ssyncset.done $0x0  }
0x23: {  	[sflag:s6] =	ssyncadd.s32 $0xFFFFFF80  }
0x24: {  	[tilespmem:s10], [sflag:$0x1] =	stream.indirect.gather [hbm4b:s2+s7], $0x80, s9, s7, $0xb8;
	[tilespmem:$0x16400] =	vst v63  }
0x25: {  	s31 =	sadd.s32 $0x20, s25  }
0x26: {  	[tilespmem:s11], [sflag:$0x2] =	stream.linear.gather [hbm4b:s31+s3], $0x80, $0x38;
	[tilespmem:$0x16400] =	vst v63  }
0x27: {  	_ =	swait.ge [sflag:s6], $0x80  }
0x28: {  	[sflag:s6] =	ssyncset.done $0x0  }
0x29: {  	[sflag:s6] =	ssyncadd.s32 $0xFFFFFF80  }
0x2a: {  	[tilespmem:s12], [sflag:$0x1] =	stream.indirect.gather [hbm4b:s2+s7], $0x80, s11, s7, $0xb8;
	[tilespmem:$0x16400] =	vst v63  }
0x2b: {  	s30 =	sadd.s32 $0x30, s25  }
0x2c: {  	[tilespmem:s13], [sflag:$0x2] =	stream.linear.gather [hbm4b:s30+s3], $0x80, $0x38;
	[tilespmem:$0x16400] =	vst v63  }
0x2d: {  	_ =	swait.ge [sflag:s6], $0x80  }
0x2e: {  	[sflag:s6] =	ssyncset.done $0x0  }
0x2f: {  	[sflag:s6] =	ssyncadd.s32 $0xFFFFFF80  }
0x30: {  	[tilespmem:s14], [sflag:$0x1] =	stream.indirect.gather [hbm4b:s2+s7], $0x80, s13, s7, $0xb8;
	[tilespmem:$0x16400] =	vst v63  }
0x31: {  	s31 =	sadd.s32 $0x40, s25  }
0x32: {  	[tilespmem:s15], [sflag:$0x2] =	stream.linear.gather [hbm4b:s31+s3], $0x80, $0x38;
	[tilespmem:$0x16400] =	vst v63  }
0x33: {  	_ =	swait.ge [sflag:s6], $0x80  }
0x34: {  	[sflag:s6] =	ssyncset.done $0x0  }
0x35: {  	[sflag:s6] =	ssyncadd.s32 $0xFFFFFF80  }
0x36: {  	[tilespmem:s16], [sflag:$0x1] =	stream.indirect.gather [hbm4b:s2+s7], $0x80, s15, s7, $0xb8;
	[tilespmem:$0x16400] =	vst v63  }
0x37: {  	s30 =	sadd.s32 $0x50, s25  }
0x38: {  	[tilespmem:s17], [sflag:$0x2] =	stream.linear.gather [hbm4b:s30+s3], $0x80, $0x38;
	[tilespmem:$0x16400] =	vst v63  }
0x39: {  	_ =	swait.ge [sflag:s6], $0x80  }
0x3a: {  	[sflag:s6] =	ssyncset.done $0x0  }
0x3b: {  	[sflag:s6] =	ssyncadd.s32 $0xFFFFFF80  }
0x3c: {  	[tilespmem:s18], [sflag:$0x1] =	stream.indirect.gather [hbm4b:s2+s7], $0x80, s17, s7, $0xb8;
	[tilespmem:$0x16400] =	vst v63  }
0x3d: {  	s31 =	sadd.s32 $0x60, s25  }
0x3e: {  	[tilespmem:s19], [sflag:$0x2] =	stream.linear.gather [hbm4b:s31+s3], $0x80, $0x38;
	[tilespmem:$0x16400] =	vst v63  }
0x3f: {  	_ =	swait.ge [sflag:s6], $0x80  }
0x40: {  	[sflag:s6] =	ssyncset.done $0x0  }
0x41: {  	[sflag:s6] =	ssyncadd.s32 $0xFFFFFF80  }
0x42: {  	[tilespmem:s20], [sflag:$0x1] =	stream.indirect.gather [hbm4b:s2+s7], $0x80, s19, s7, $0xb8;
	[tilespmem:$0x16400] =	vst v63  }
0x43: {  	s25 =	sadd.s32 $0x70, s25  }
0x44: {  	[tilespmem:s21], [sflag:$0x2] =	stream.linear.gather [hbm4b:s25+s3], $0x80, $0x38;
	[tilespmem:$0x16400] =	vst v63  }
0x45: {  	_ =	swait.ge [sflag:s6], $0x80  }
0x46: {  	[sflag:s6] =	ssyncset.done $0x0  }
0x47: {  	[sflag:s6] =	ssyncadd.s32 $0xFFFFFF80  }
0x48: {  	[tilespmem:s22], [sflag:$0x1] =	stream.indirect.gather [hbm4b:s2+s7], $0x80, s21, s7, $0xb8;
	[tilespmem:$0x16400] =	vst v63  }
0x49: {  	_ =	swait.ge [sflag:s23], $0x2B00  }
0x4a: {  	[sflag:s23] =	ssyncset.done $0x0  }
0x4b: {  	[sflag:s23] =	ssyncadd.s32 $0xFFFFD500  }
0x4c: {  	_ =	swait.ge [sflag:s23], $0x2B00  }
0x4d: {  	[sflag:s23] =	ssyncset.done $0x0  }
0x4e: {  	[sflag:s23] =	ssyncadd.s32 $0xFFFFD500  }
0x4f: {  	_ =	swait.ge [sflag:s23], $0x2B00  }
0x50: {  	[sflag:s23] =	ssyncset.done $0x0  }
0x51: {  	[sflag:s23] =	ssyncadd.s32 $0xFFFFD500  }
0x52: {  	_ =	swait.ge [sflag:s23], $0x2B00  }
0x53: {  	[sflag:s23] =	ssyncset.done $0x0  }
0x54: {  	[sflag:s23] =	ssyncadd.s32 $0xFFFFD500  }
0x55: {  	_ =	swait.ge [sflag:s23], $0x2B00  }
0x56: {  	[sflag:s23] =	ssyncset.done $0x0  }
0x57: {  	[sflag:s23] =	ssyncadd.s32 $0xFFFFD500  }
0x58: {  	_ =	swait.ge [sflag:s23], $0x2B00  }
0x59: {  	[sflag:s23] =	ssyncset.done $0x0  }
0x5a: {  	[sflag:s23] =	ssyncadd.s32 $0xFFFFD500  }
0x5b: {  	_ =	swait.ge [sflag:s23], $0x2B00  }
0x5c: {  	[sflag:s23] =	ssyncset.done $0x0  }
0x5d: {  	[sflag:s23] =	ssyncadd.s32 $0xFFFFD500  }
0x5e: {  	_ =	swait.ge [sflag:s23], $0x2B00  }
0x5f: {  	s30 =	rddreg [dreg:$0xb];
	[sflag:s23] =	ssyncset.done $0x0  }
0x60: {  	[sflag:s23] =	ssyncadd.s32 $0xFFFFD500;
	s25 =	sadd.s32 s4, s30  }
0x61: {  	[hbm4b:s25+s3] =	stream.linear.scatter [tilespmem:s8], [sflag:$0x2], $0x2B00, $0x38;
	[tilespmem:$0x16400] =	vst v63  }
0x62: {  	_ =	swait.ge [sflag:s6], $0x2B00  }
0x63: {  	s31 =	rddreg [dreg:$0xa];
	[sflag:s6] =	ssyncset.done $0x0  }
0x64: {  	[sflag:s6] =	ssyncadd.s32 $0xFFFFD500;
	s25 =	sadd.s32 s4, s31  }
0x65: {  	[hbm4b:s25+s3] =	stream.linear.scatter [tilespmem:s10], [sflag:$0x2], $0x2B00, $0x38;
	[tilespmem:$0x16400] =	vst v63  }
0x66: {  	_ =	swait.ge [sflag:s6], $0x2B00  }
0x67: {  	s26 =	rddreg [dreg:$0x9];
	[sflag:s6] =	ssyncset.done $0x0  }
0x68: {  	[sflag:s6] =	ssyncadd.s32 $0xFFFFD500;
	s25 =	sadd.s32 s4, s26  }
0x69: {  	[hbm4b:s25+s3] =	stream.linear.scatter [tilespmem:s12], [sflag:$0x2], $0x2B00, $0x38;
	[tilespmem:$0x16400] =	vst v63  }
0x6a: {  	_ =	swait.ge [sflag:s6], $0x2B00  }
0x6b: {  	s30 =	rddreg [dreg:$0x8];
	[sflag:s6] =	ssyncset.done $0x0  }
0x6c: {  	[sflag:s6] =	ssyncadd.s32 $0xFFFFD500;
	s25 =	sadd.s32 s4, s30  }
0x6d: {  	[hbm4b:s25+s3] =	stream.linear.scatter [tilespmem:s14], [sflag:$0x2], $0x2B00, $0x38;
	[tilespmem:$0x16400] =	vst v63  }
0x6e: {  	_ =	swait.ge [sflag:s6], $0x2B00  }
0x6f: {  	s31 =	rddreg [dreg:$0x7];
	[sflag:s6] =	ssyncset.done $0x0  }
0x70: {  	[sflag:s6] =	ssyncadd.s32 $0xFFFFD500;
	s25 =	sadd.s32 s4, s31  }
0x71: {  	[hbm4b:s25+s3] =	stream.linear.scatter [tilespmem:s16], [sflag:$0x2], $0x2B00, $0x38;
	[tilespmem:$0x16400] =	vst v63  }
0x72: {  	_ =	swait.ge [sflag:s6], $0x2B00  }
0x73: {  	s26 =	rddreg [dreg:$0x6];
	[sflag:s6] =	ssyncset.done $0x0  }
0x74: {  	[sflag:s6] =	ssyncadd.s32 $0xFFFFD500;
	s25 =	sadd.s32 s4, s26  }
0x75: {  	[hbm4b:s25+s3] =	stream.linear.scatter [tilespmem:s18], [sflag:$0x2], $0x2B00, $0x38;
	[tilespmem:$0x16400] =	vst v63  }
0x76: {  	_ =	swait.ge [sflag:s6], $0x2B00  }
0x77: {  	s30 =	rddreg [dreg:$0x5];
	[sflag:s6] =	ssyncset.done $0x0  }
0x78: {  	[sflag:s6] =	ssyncadd.s32 $0xFFFFD500;
	s25 =	sadd.s32 s4, s30  }
0x79: {  	[hbm4b:s25+s3] =	stream.linear.scatter [tilespmem:s20], [sflag:$0x2], $0x2B00, $0x38;
	[tilespmem:$0x16400] =	vst v63  }
0x7a: {  	_ =	swait.ge [sflag:s6], $0x2B00  }
0x7b: {  	s31 =	rddreg [dreg:$0x4];
	[sflag:s6] =	ssyncset.done $0x0  }
0x7c: {  	[sflag:s6] =	ssyncadd.s32 $0xFFFFD500;
	s25 =	sadd.s32 s4, s31  }
0x7d: {  	[hbm4b:s25+s3] =	stream.linear.scatter [tilespmem:s22], [sflag:$0x2], $0x2B00, $0x38;
	[tilespmem:$0x16400] =	vst v63  }
0x7e: {  	s28 =	simm.s32 $0x100;
	s26 =	simm.s32 $0x80;
	_ =	swait.ge [sflag:s6], $0x2B00  }
0x7f: {  	s25 =	smov.u32 s4;
	s29 =	rddreg [dreg:$0x3];
	[sflag:s6] =	ssyncset.done $0x0  }
.LBB2_2:
0x80: {  	[sflag:s6] =	ssyncadd.s32 $0xFFFFD500;
	s29 =	sadd.s32 s26, s29  }
0x81: {  	[tilespmem:s3], [sflag:$0x2] =	stream.linear.gather [hbm4b:s29+s3], $0x80, $0x38;
	[tilespmem:$0x16400] =	vst v63  }
0x82: {  	_ =	swait.ge [sflag:s6], $0x80  }
0x83: {  	[sflag:s6] =	ssyncset.done $0x0  }
0x84: {  	[sflag:s6] =	ssyncadd.s32 $0xFFFFFF80  }
0x85: {  	[tilespmem:s8], [sflag:$0x1] =	stream.indirect.gather [hbm4b:s2+s7], $0x80, s3, s7, $0xb8;
	[tilespmem:$0x16400] =	vst v63  }
0x86: {  	s31 =	sadd.s32 $0x10, s29  }
0x87: {  	[tilespmem:s9], [sflag:$0x2] =	stream.linear.gather [hbm4b:s31+s3], $0x80, $0x38;
	[tilespmem:$0x16400] =	vst v63  }
0x88: {  	_ =	swait.ge [sflag:s6], $0x80  }
0x89: {  	[sflag:s6] =	ssyncset.done $0x0  }
0x8a: {  	[sflag:s6] =	ssyncadd.s32 $0xFFFFFF80  }
0x8b: {  	[tilespmem:s10], [sflag:$0x1] =	stream.indirect.gather [hbm4b:s2+s7], $0x80, s9, s7, $0xb8;
	[tilespmem:$0x16400] =	vst v63  }
0x8c: {  	s31 =	sadd.s32 $0x20, s29  }
0x8d: {  	[tilespmem:s11], [sflag:$0x2] =	stream.linear.gather [hbm4b:s31+s3], $0x80, $0x38;
	[tilespmem:$0x16400] =	vst v63  }
0x8e: {  	_ =	swait.ge [sflag:s6], $0x80  }
0x8f: {  	[sflag:s6] =	ssyncset.done $0x0  }
0x90: {  	[sflag:s6] =	ssyncadd.s32 $0xFFFFFF80  }
0x91: {  	[tilespmem:s12], [sflag:$0x1] =	stream.indirect.gather [hbm4b:s2+s7], $0x80, s11, s7, $0xb8;
	[tilespmem:$0x16400] =	vst v63  }
0x92: {  	s31 =	sadd.s32 $0x30, s29  }
0x93: {  	[tilespmem:s13], [sflag:$0x2] =	stream.linear.gather [hbm4b:s31+s3], $0x80, $0x38;
	[tilespmem:$0x16400] =	vst v63  }
0x94: {  	_ =	swait.ge [sflag:s6], $0x80  }
0x95: {  	[sflag:s6] =	ssyncset.done $0x0  }
0x96: {  	[sflag:s6] =	ssyncadd.s32 $0xFFFFFF80  }
0x97: {  	[tilespmem:s14], [sflag:$0x1] =	stream.indirect.gather [hbm4b:s2+s7], $0x80, s13, s7, $0xb8;
	[tilespmem:$0x16400] =	vst v63  }
0x98: {  	s31 =	sadd.s32 $0x40, s29  }
0x99: {  	[tilespmem:s15], [sflag:$0x2] =	stream.linear.gather [hbm4b:s31+s3], $0x80, $0x38;
	[tilespmem:$0x16400] =	vst v63  }
0x9a: {  	_ =	swait.ge [sflag:s6], $0x80  }
0x9b: {  	[sflag:s6] =	ssyncset.done $0x0  }
0x9c: {  	[sflag:s6] =	ssyncadd.s32 $0xFFFFFF80  }
0x9d: {  	[tilespmem:s16], [sflag:$0x1] =	stream.indirect.gather [hbm4b:s2+s7], $0x80, s15, s7, $0xb8;
	[tilespmem:$0x16400] =	vst v63  }
0x9e: {  	s31 =	sadd.s32 $0x50, s29  }
0x9f: {  	[tilespmem:s17], [sflag:$0x2] =	stream.linear.gather [hbm4b:s31+s3], $0x80, $0x38;
	[tilespmem:$0x16400] =	vst v63  }
0xa0: {  	_ =	swait.ge [sflag:s6], $0x80  }
0xa1: {  	[sflag:s6] =	ssyncset.done $0x0  }
0xa2: {  	[sflag:s6] =	ssyncadd.s32 $0xFFFFFF80  }
0xa3: {  	[tilespmem:s18], [sflag:$0x1] =	stream.indirect.gather [hbm4b:s2+s7], $0x80, s17, s7, $0xb8;
	[tilespmem:$0x16400] =	vst v63  }
0xa4: {  	s31 =	sadd.s32 $0x60, s29  }
0xa5: {  	[tilespmem:s19], [sflag:$0x2] =	stream.linear.gather [hbm4b:s31+s3], $0x80, $0x38;
	[tilespmem:$0x16400] =	vst v63  }
0xa6: {  	_ =	swait.ge [sflag:s6], $0x80  }
0xa7: {  	[sflag:s6] =	ssyncset.done $0x0  }
0xa8: {  	[sflag:s6] =	ssyncadd.s32 $0xFFFFFF80  }
0xa9: {  	[tilespmem:s20], [sflag:$0x1] =	stream.indirect.gather [hbm4b:s2+s7], $0x80, s19, s7, $0xb8;
	[tilespmem:$0x16400] =	vst v63  }
0xaa: {  	s29 =	sadd.s32 $0x70, s29  }
0xab: {  	[tilespmem:s21], [sflag:$0x2] =	stream.linear.gather [hbm4b:s29+s3], $0x80, $0x38;
	[tilespmem:$0x16400] =	vst v63  }
0xac: {  	_ =	swait.ge [sflag:s6], $0x80  }
0xad: {  	[sflag:s6] =	ssyncset.done $0x0  }
0xae: {  	[sflag:s6] =	ssyncadd.s32 $0xFFFFFF80  }
0xaf: {  	[tilespmem:s22], [sflag:$0x1] =	stream.indirect.gather [hbm4b:s2+s7], $0x80, s21, s7, $0xb8;
	[tilespmem:$0x16400] =	vst v63  }
0xb0: {  	_ =	swait.ge [sflag:s23], $0x2B00  }
0xb1: {  	[sflag:s23] =	ssyncset.done $0x0  }
0xb2: {  	[sflag:s23] =	ssyncadd.s32 $0xFFFFD500  }
0xb3: {  	_ =	swait.ge [sflag:s23], $0x2B00  }
0xb4: {  	[sflag:s23] =	ssyncset.done $0x0  }
0xb5: {  	[sflag:s23] =	ssyncadd.s32 $0xFFFFD500  }
0xb6: {  	_ =	swait.ge [sflag:s23], $0x2B00  }
0xb7: {  	[sflag:s23] =	ssyncset.done $0x0  }
0xb8: {  	[sflag:s23] =	ssyncadd.s32 $0xFFFFD500  }
0xb9: {  	_ =	swait.ge [sflag:s23], $0x2B00  }
0xba: {  	[sflag:s23] =	ssyncset.done $0x0  }
0xbb: {  	[sflag:s23] =	ssyncadd.s32 $0xFFFFD500  }
0xbc: {  	_ =	swait.ge [sflag:s23], $0x2B00  }
0xbd: {  	[sflag:s23] =	ssyncset.done $0x0  }
0xbe: {  	[sflag:s23] =	ssyncadd.s32 $0xFFFFD500  }
0xbf: {  	_ =	swait.ge [sflag:s23], $0x2B00  }
0xc0: {  	[sflag:s23] =	ssyncset.done $0x0  }
0xc1: {  	[sflag:s23] =	ssyncadd.s32 $0xFFFFD500  }
0xc2: {  	_ =	swait.ge [sflag:s23], $0x2B00  }
0xc3: {  	[sflag:s23] =	ssyncset.done $0x0  }
0xc4: {  	[sflag:s23] =	ssyncadd.s32 $0xFFFFD500  }
0xc5: {  	_ =	swait.ge [sflag:s23], $0x2B00  }
0xc6: {  	s25 =	sadd.s32 $0x2C00, s25;
	s29 =	rddreg [dreg:$0xb];
	[sflag:s23] =	ssyncset.done $0x0  }
0xc7: {  	[sflag:s23] =	ssyncadd.s32 $0xFFFFD500;
	s29 =	sadd.s32 s25, s29  }
0xc8: {  	[hbm4b:s29+s3] =	stream.linear.scatter [tilespmem:s8], [sflag:$0x2], $0x2B00, $0x38;
	[tilespmem:$0x16400] =	vst v63  }
0xc9: {  	_ =	swait.ge [sflag:s6], $0x2B00  }
0xca: {  	s29 =	rddreg [dreg:$0xa];
	[sflag:s6] =	ssyncset.done $0x0  }
0xcb: {  	[sflag:s6] =	ssyncadd.s32 $0xFFFFD500;
	s29 =	sadd.s32 s25, s29  }
0xcc: {  	[hbm4b:s29+s3] =	stream.linear.scatter [tilespmem:s10], [sflag:$0x2], $0x2B00, $0x38;
	[tilespmem:$0x16400] =	vst v63  }
0xcd: {  	_ =	swait.ge [sflag:s6], $0x2B00  }
0xce: {  	s29 =	rddreg [dreg:$0x9];
	[sflag:s6] =	ssyncset.done $0x0  }
0xcf: {  	[sflag:s6] =	ssyncadd.s32 $0xFFFFD500;
	s29 =	sadd.s32 s25, s29  }
0xd0: {  	[hbm4b:s29+s3] =	stream.linear.scatter [tilespmem:s12], [sflag:$0x2], $0x2B00, $0x38;
	[tilespmem:$0x16400] =	vst v63  }
0xd1: {  	_ =	swait.ge [sflag:s6], $0x2B00  }
0xd2: {  	s29 =	rddreg [dreg:$0x8];
	[sflag:s6] =	ssyncset.done $0x0  }
0xd3: {  	[sflag:s6] =	ssyncadd.s32 $0xFFFFD500;
	s29 =	sadd.s32 s25, s29  }
0xd4: {  	[hbm4b:s29+s3] =	stream.linear.scatter [tilespmem:s14], [sflag:$0x2], $0x2B00, $0x38;
	[tilespmem:$0x16400] =	vst v63  }
0xd5: {  	_ =	swait.ge [sflag:s6], $0x2B00  }
0xd6: {  	s29 =	rddreg [dreg:$0x7];
	[sflag:s6] =	ssyncset.done $0x0  }
0xd7: {  	[sflag:s6] =	ssyncadd.s32 $0xFFFFD500;
	s29 =	sadd.s32 s25, s29  }
0xd8: {  	[hbm4b:s29+s3] =	stream.linear.scatter [tilespmem:s16], [sflag:$0x2], $0x2B00, $0x38;
	[tilespmem:$0x16400] =	vst v63  }
0xd9: {  	_ =	swait.ge [sflag:s6], $0x2B00  }
0xda: {  	s29 =	rddreg [dreg:$0x6];
	[sflag:s6] =	ssyncset.done $0x0  }
0xdb: {  	[sflag:s6] =	ssyncadd.s32 $0xFFFFD500;
	s29 =	sadd.s32 s25, s29  }
0xdc: {  	[hbm4b:s29+s3] =	stream.linear.scatter [tilespmem:s18], [sflag:$0x2], $0x2B00, $0x38;
	[tilespmem:$0x16400] =	vst v63  }
0xdd: {  	_ =	swait.ge [sflag:s6], $0x2B00  }
0xde: {  	s29 =	rddreg [dreg:$0x5];
	[sflag:s6] =	ssyncset.done $0x0  }
0xdf: {  	[sflag:s6] =	ssyncadd.s32 $0xFFFFD500;
	s29 =	sadd.s32 s25, s29  }
0xe0: {  	[hbm4b:s29+s3] =	stream.linear.scatter [tilespmem:s20], [sflag:$0x2], $0x2B00, $0x38;
	[tilespmem:$0x16400] =	vst v63  }
0xe1: {  	p0 =	sne.s32 s28, $0xA80;
	_ =	swait.ge [sflag:s6], $0x2B00  }
.Ltmp0:
0xe2: {  	s29 =	rddreg [dreg:$0x4];
	[sflag:s6] =	ssyncset.done $0x0;
	(pc) =	sbr.rel @p0 .LBB2_2-.Ltmp0, $4  }
0xe3: {  	[sflag:s6] =	ssyncadd.s32 $0xFFFFD500;
	s29 =	sadd.s32 s25, s29  }
0xe4: {  	[hbm4b:s29+s3] =	stream.linear.scatter [tilespmem:s22], [sflag:$0x2], $0x2B00, $0x38;
	[tilespmem:$0x16400] =	vst v63  }
0xe5: {  	s30 =	smov.u32 s28;
	s28 =	sadd.s32 $0x80, s28;
	_ =	swait.ge [sflag:s6], $0x2B00  }
0xe6: {  	s26 =	smov.u32 s30;
	s29 =	rddreg [dreg:$0x3];
	[sflag:s6] =	ssyncset.done $0x0  }
0xe7: {  	[sflag:s6] =	ssyncadd.s32 $0xFFFFD500;
	s26 =	sadd.s32 s26, s29  }
0xe8: {  	[tilespmem:s3], [sflag:$0x2] =	stream.linear.gather [hbm4b:s26+s3], $0x80, $0x38;
	[tilespmem:$0x16400] =	vst v63  }
0xe9: {  	_ =	swait.ge [sflag:s6], $0x80  }
0xea: {  	[sflag:s6] =	ssyncset.done $0x0  }
0xeb: {  	[sflag:s6] =	ssyncadd.s32 $0xFFFFFF80  }
0xec: {  	[tilespmem:s8], [sflag:$0x1] =	stream.indirect.gather [hbm4b:s2+s7], $0x80, s3, s7, $0xb8;
	[tilespmem:$0x16400] =	vst v63  }
0xed: {  	s28 =	sadd.s32 $0x10, s26  }
0xee: {  	[tilespmem:s9], [sflag:$0x2] =	stream.linear.gather [hbm4b:s28+s3], $0x80, $0x38;
	[tilespmem:$0x16400] =	vst v63  }
0xef: {  	_ =	swait.ge [sflag:s6], $0x80  }
0xf0: {  	[sflag:s6] =	ssyncset.done $0x0  }
0xf1: {  	[sflag:s6] =	ssyncadd.s32 $0xFFFFFF80  }
0xf2: {  	[tilespmem:s10], [sflag:$0x1] =	stream.indirect.gather [hbm4b:s2+s7], $0x80, s9, s7, $0xb8;
	[tilespmem:$0x16400] =	vst v63  }
0xf3: {  	s30 =	sadd.s32 $0x20, s26  }
0xf4: {  	[tilespmem:s11], [sflag:$0x2] =	stream.linear.gather [hbm4b:s30+s3], $0x80, $0x38;
	[tilespmem:$0x16400] =	vst v63  }
0xf5: {  	_ =	swait.ge [sflag:s6], $0x80  }
0xf6: {  	[sflag:s6] =	ssyncset.done $0x0  }
0xf7: {  	[sflag:s6] =	ssyncadd.s32 $0xFFFFFF80  }
0xf8: {  	[tilespmem:s12], [sflag:$0x1] =	stream.indirect.gather [hbm4b:s2+s7], $0x80, s11, s7, $0xb8;
	[tilespmem:$0x16400] =	vst v63  }
0xf9: {  	s31 =	sadd.s32 $0x30, s26  }
0xfa: {  	[tilespmem:s13], [sflag:$0x2] =	stream.linear.gather [hbm4b:s31+s3], $0x80, $0x38;
	[tilespmem:$0x16400] =	vst v63  }
0xfb: {  	_ =	swait.ge [sflag:s6], $0x80  }
0xfc: {  	[sflag:s6] =	ssyncset.done $0x0  }
0xfd: {  	[sflag:s6] =	ssyncadd.s32 $0xFFFFFF80  }
0xfe: {  	[tilespmem:s14], [sflag:$0x1] =	stream.indirect.gather [hbm4b:s2+s7], $0x80, s13, s7, $0xb8;
	[tilespmem:$0x16400] =	vst v63  }
0xff: {  	s29 =	sadd.s32 $0x40, s26  }
0x100: {  	[tilespmem:s15], [sflag:$0x2] =	stream.linear.gather [hbm4b:s29+s3], $0x80, $0x38;
	[tilespmem:$0x16400] =	vst v63  }
0x101: {  	_ =	swait.ge [sflag:s6], $0x80  }
0x102: {  	[sflag:s6] =	ssyncset.done $0x0  }
0x103: {  	[sflag:s6] =	ssyncadd.s32 $0xFFFFFF80  }
0x104: {  	[tilespmem:s16], [sflag:$0x1] =	stream.indirect.gather [hbm4b:s2+s7], $0x80, s15, s7, $0xb8;
	[tilespmem:$0x16400] =	vst v63  }
0x105: {  	s30 =	sadd.s32 $0x50, s26  }
0x106: {  	[tilespmem:s17], [sflag:$0x2] =	stream.linear.gather [hbm4b:s30+s3], $0x80, $0x38;
	[tilespmem:$0x16400] =	vst v63  }
0x107: {  	_ =	swait.ge [sflag:s6], $0x80  }
0x108: {  	[sflag:s6] =	ssyncset.done $0x0  }
0x109: {  	[sflag:s6] =	ssyncadd.s32 $0xFFFFFF80  }
0x10a: {  	[tilespmem:s18], [sflag:$0x1] =	stream.indirect.gather [hbm4b:s2+s7], $0x80, s17, s7, $0xb8;
	[tilespmem:$0x16400] =	vst v63  }
0x10b: {  	s31 =	sadd.s32 $0x60, s26  }
0x10c: {  	[tilespmem:s19], [sflag:$0x2] =	stream.linear.gather [hbm4b:s31+s3], $0x80, $0x38;
	[tilespmem:$0x16400] =	vst v63  }
0x10d: {  	_ =	swait.ge [sflag:s6], $0x80  }
0x10e: {  	[sflag:s6] =	ssyncset.done $0x0  }
0x10f: {  	[sflag:s6] =	ssyncadd.s32 $0xFFFFFF80  }
0x110: {  	[tilespmem:s20], [sflag:$0x1] =	stream.indirect.gather [hbm4b:s2+s7], $0x80, s19, s7, $0xb8;
	[tilespmem:$0x16400] =	vst v63  }
0x111: {  	s26 =	sadd.s32 $0x70, s26  }
0x112: {  	[tilespmem:s21], [sflag:$0x2] =	stream.linear.gather [hbm4b:s26+s3], $0x80, $0x38;
	[tilespmem:$0x16400] =	vst v63  }
0x113: {  	_ =	swait.ge [sflag:s6], $0x80  }
0x114: {  	[sflag:s6] =	ssyncset.done $0x0  }
0x115: {  	[sflag:s6] =	ssyncadd.s32 $0xFFFFFF80  }
0x116: {  	[tilespmem:s22], [sflag:$0x1] =	stream.indirect.gather [hbm4b:s2+s7], $0x80, s21, s7, $0xb8;
	[tilespmem:$0x16400] =	vst v63  }
0x117: {  	_ =	swait.ge [sflag:s23], $0x2B00  }
0x118: {  	[sflag:s23] =	ssyncset.done $0x0  }
0x119: {  	[sflag:s23] =	ssyncadd.s32 $0xFFFFD500  }
0x11a: {  	_ =	swait.ge [sflag:s23], $0x2B00  }
0x11b: {  	[sflag:s23] =	ssyncset.done $0x0  }
0x11c: {  	[sflag:s23] =	ssyncadd.s32 $0xFFFFD500  }
0x11d: {  	_ =	swait.ge [sflag:s23], $0x2B00  }
0x11e: {  	[sflag:s23] =	ssyncset.done $0x0  }
0x11f: {  	[sflag:s23] =	ssyncadd.s32 $0xFFFFD500  }
0x120: {  	_ =	swait.ge [sflag:s23], $0x2B00  }
0x121: {  	[sflag:s23] =	ssyncset.done $0x0  }
0x122: {  	[sflag:s23] =	ssyncadd.s32 $0xFFFFD500  }
0x123: {  	_ =	swait.ge [sflag:s23], $0x2B00  }
0x124: {  	[sflag:s23] =	ssyncset.done $0x0  }
0x125: {  	[sflag:s23] =	ssyncadd.s32 $0xFFFFD500  }
0x126: {  	_ =	swait.ge [sflag:s23], $0x2B00  }
0x127: {  	[sflag:s23] =	ssyncset.done $0x0  }
0x128: {  	[sflag:s23] =	ssyncadd.s32 $0xFFFFD500  }
0x129: {  	_ =	swait.ge [sflag:s23], $0x2B00  }
0x12a: {  	[sflag:s23] =	ssyncset.done $0x0  }
0x12b: {  	[sflag:s23] =	ssyncadd.s32 $0xFFFFD500  }
0x12c: {  	_ =	swait.ge [sflag:s23], $0x2B00  }
0x12d: {  	s25 =	sadd.s32 $0x2C00, s25;
	s28 =	rddreg [dreg:$0xb];
	[sflag:s23] =	ssyncset.done $0x0  }
0x12e: {  	[sflag:s23] =	ssyncadd.s32 $0xFFFFD500;
	s26 =	sadd.s32 s25, s28  }
0x12f: {  	[hbm4b:s26+s3] =	stream.linear.scatter [tilespmem:s8], [sflag:$0x2], $0x2B00, $0x38;
	[tilespmem:$0x16400] =	vst v63  }
0x130: {  	_ =	swait.ge [sflag:s6], $0x2B00  }
0x131: {  	s29 =	rddreg [dreg:$0xa];
	[sflag:s6] =	ssyncset.done $0x0  }
0x132: {  	[sflag:s6] =	ssyncadd.s32 $0xFFFFD500;
	s26 =	sadd.s32 s25, s29  }
0x133: {  	[hbm4b:s26+s3] =	stream.linear.scatter [tilespmem:s10], [sflag:$0x2], $0x2B00, $0x38;
	[tilespmem:$0x16400] =	vst v63  }
0x134: {  	_ =	swait.ge [sflag:s6], $0x2B00  }
0x135: {  	s30 =	rddreg [dreg:$0x9];
	[sflag:s6] =	ssyncset.done $0x0  }
0x136: {  	[sflag:s6] =	ssyncadd.s32 $0xFFFFD500;
	s26 =	sadd.s32 s25, s30  }
0x137: {  	[hbm4b:s26+s3] =	stream.linear.scatter [tilespmem:s12], [sflag:$0x2], $0x2B00, $0x38;
	[tilespmem:$0x16400] =	vst v63  }
0x138: {  	_ =	swait.ge [sflag:s6], $0x2B00  }
0x139: {  	s31 =	rddreg [dreg:$0x8];
	[sflag:s6] =	ssyncset.done $0x0  }
0x13a: {  	[sflag:s6] =	ssyncadd.s32 $0xFFFFD500;
	s26 =	sadd.s32 s25, s31  }
0x13b: {  	[hbm4b:s26+s3] =	stream.linear.scatter [tilespmem:s14], [sflag:$0x2], $0x2B00, $0x38;
	[tilespmem:$0x16400] =	vst v63  }
0x13c: {  	_ =	swait.ge [sflag:s6], $0x2B00  }
0x13d: {  	s28 =	rddreg [dreg:$0x7];
	[sflag:s6] =	ssyncset.done $0x0  }
0x13e: {  	[sflag:s6] =	ssyncadd.s32 $0xFFFFD500;
	s26 =	sadd.s32 s25, s28  }
0x13f: {  	[hbm4b:s26+s3] =	stream.linear.scatter [tilespmem:s16], [sflag:$0x2], $0x2B00, $0x38;
	[tilespmem:$0x16400] =	vst v63  }
0x140: {  	_ =	swait.ge [sflag:s6], $0x2B00  }
0x141: {  	s29 =	rddreg [dreg:$0x6];
	[sflag:s6] =	ssyncset.done $0x0  }
0x142: {  	[sflag:s6] =	ssyncadd.s32 $0xFFFFD500;
	s26 =	sadd.s32 s25, s29  }
0x143: {  	[hbm4b:s26+s3] =	stream.linear.scatter [tilespmem:s18], [sflag:$0x2], $0x2B00, $0x38;
	[tilespmem:$0x16400] =	vst v63  }
0x144: {  	_ =	swait.ge [sflag:s6], $0x2B00  }
0x145: {  	s30 =	rddreg [dreg:$0x5];
	[sflag:s6] =	ssyncset.done $0x0  }
0x146: {  	[sflag:s6] =	ssyncadd.s32 $0xFFFFD500;
	s26 =	sadd.s32 s25, s30  }
0x147: {  	[hbm4b:s26+s3] =	stream.linear.scatter [tilespmem:s20], [sflag:$0x2], $0x2B00, $0x38;
	[tilespmem:$0x16400] =	vst v63  }
0x148: {  	s24 =	sadd.s32 $0x1, s24;
	_ =	swait.ge [sflag:s6], $0x2B00  }
0x149: {  	p0 =	sne.s32 s24, s5;
	s31 =	rddreg [dreg:$0x4];
	[sflag:s6] =	ssyncset.done $0x0  }
.Ltmp1:
0x14a: {  	[sflag:s6] =	ssyncadd.s32 $0xFFFFD500;
	s25 =	sadd.s32 s25, s31;
	(pc) =	sbr.rel @p0 .LBB2_1-.Ltmp1, $4  }
0x14b: {  	[hbm4b:s25+s3] =	stream.linear.scatter [tilespmem:s22], [sflag:$0x2], $0x2B00, $0x38;
	[tilespmem:$0x16400] =	vst v63  }
0x14c: {  	_ =	swait.ge [sflag:s6], $0x2B00  }
0x14d: {  	[sflag:s6] =	ssyncset.done $0x0  }
0x14e: {  	[sflag:s6] =	ssyncadd.s32 $0xFFFFD500  }
0x14f: {  	_ =	sfence.sel $0x180000  }
0x150: {  	[bflag:$0x0] =	sbarrier.arrive $0xFFFF  }
0x151: {  	p0 =	sne.s32 s1, $0x0;
	_ =	strace $0x90000047  }
0x152: {  	s0 =	sadd.s32 @!p0 $0x100000, s0;
	[bflag:$0x2] =	sbarrier.arrive $0xFFFF  }
0x153: {  	[sflag:s0] =	ssyncadd.tile.s32 @!p0 $0x1;
	_ =	shalt  }
.Lfunc_end2:
_tile_overlayer_lowered:
.L_overlay_start_2:
0x154: {  	(tag) =	ssettag $0x2  }
0x155: {  	s0 =	rddreg [dreg:$0x0];
	s2 =	stileid.u32  }
0x156: {  	s1 =	rddreg [dreg:$0x1];
	p0 =	sne.s32 s2, $0x0  }
0x157: {  	s3 =	rddreg [dreg:$0x2];
	[bflag:$0x3] =	sbarrier.arrive $0xFFFF;
	s2 =	simm.s32 @!p0 $0x1C02  }
0x158: {  	[timem:s3], [sflag:s2] =	dma.local @!p0 [hbm:s0], s1  }
0x159: {  	s0 =	simm.s32 @!p0 $0x2  }
0x15a: {  	_ =	swait.ge @!p0 [sflag:s0], s1  }
0x15b: {  	s1 =	ssub.s32 @!p0 $0x0, s1;
	[sflag:s0] =	ssyncset.done @!p0 $0x0  }
0x15c: {  	[sflag:s0] =	ssyncadd.s32 @!p0 s1  }
0x15d: {  	[bflag:$0x3] =	sbarrier.arrive $0xFFFF  }
0x15e: {  	_ =	shalt  }

// kernel: sparse-core-data-format-call.cloned.1.call-start
scs
called_computation_lowered:
.L_overlay_start_0:
0x0: {  	s1 =	sld [smem:$0x3FD9]  }
0x1: {  	s2 =	sld [smem:$0x3FFE];
	_ =	sdelay $0x1  }
0x2: {  	s3 =	srdreg.scid  }
0x3: {  	s0 =	sand.u32 $0x1, s3  }
0x4: {  	s17 =	sshll.u32 s0, $0xA;
	s1 =	sadd.s32 s2, s1  }
0x5: {  	s1 =	sadd.s32 s1, s17  }
0x6: {  	[smem:$0x3FBD] =	sst s1  }
0x7: {  	_ = 	snop  }
0x8: {  	(tm) =	ssettm $0x1  }
0x9: {  	s18 =	sld [smem:$0x3FFB];
	_ =	sdelay $0x3  }
0xa: {  	_ =	strace s18  }
0xb: {  	s1 =	sld [smem:$0x3FFC];
	_ =	sdelay $0x3  }
0xc: {  	_ =	strace s1  }
0xd: {  	s1 =	sld [smem:$0x3FFD];
	_ =	sdelay $0x3  }
0xe: {  	_ =	strace s1  }
0xf: {  	_ =	strace $0x8FFFFFFF  }
0x10: {  	s19 =	sld [smem:$0x3FDB];
	_ =	sdelay $0x1  }
0x11: {  	s20 =	simm.s32 $_scs_section_size  }
0x12: {  	s4 =	simm.s32 $_size__tile_overlayer_lowered;
	s5 =	simm.s32 $_tile_overlayer_lowered  }
0x13: {  	s23 =	simm.s32 $0x1BFF;
	s22 =	sshll.u32 s5, $0x1;
	s1 =	sadd.s32 s20, s19  }
0x14: {  	s6 =	simm.s32 $0x0;
	s21 =	sshll.u32 s4, $0x1;
	s4 =	sadd.s32 s22, s1  }
0x15: {  	[timem:s6], [sflag:s23] =	dma.local [hbm:s4], s21  }
0x16: {  	_ =	swait.ge [sflag:s23], s21  }
0x17: {  	s2 =	ssub.s32 $0x0, s21;
	[sflag:s23] =	ssyncset.done $0x0  }
0x18: {  	[sflag:s23] =	ssyncadd.s32 s2;
	_ =	sdelay $0x1  }
0x19: {  	s24 =	simm.s32 $0x1B8B  }
0x1a: {  	_ =	swait.ge [sflag:s24], $0x1  }
0x1b: {  	[sflag:s24] =	ssyncset.done $0x0  }
0x1c: {  	s26 =	simm.s32 $0x1B8E;
	s25 =	sld [smem:$0x3FFE];
	[sflag:s24] =	ssyncadd.s32 $0xFFFFFFFF  }
0x1d: {  	s27 =	simm.s32 $execute0_lowered;
	[smem:$0x3FD2] =	sst s26  }
0x1e: {  	s4 =	sshll.u32 s27, $0x1;
	_ =	strace $0x80000049;
	[dreg:$0x1] =	wrdreg $0xFFFFFFFF  }
0x1f: {  	s28 =	simm.s32 $_size_execute0_lowered;
	s1 =	sadd.s32 s1, s4;
	[dreg:$0x0] =	wrdreg $0x0  }
0x20: {  	s4 =	sshll.u32 s28, $0x1;
	[dreg:$0x2] =	wrdreg s1  }
0x21: {  	[dreg:$0x3] =	wrdreg s4  }
0x22: {  	[dreg:$0x4] =	wrdreg $0xC0  }
0x23: {  	_ =	task [dreg:s6], $0x5FFFF  }
0x24: {  	[dreg:$0x1] =	wrdreg $0xFFFFFFFF  }
0x25: {  	[dreg:$0x0] =	wrdreg $0x60  }
0x26: {  	[dreg:$0x2] =	wrdreg s25  }
0x27: {  	[dreg:$0x3] =	wrdreg $0x9  }
0x28: {  	_ =	task.clear_ibuf [dreg:s6], $0x4FFFF;
	_ =	strace $0x90000049  }
0x29: {  	s29 =	simm.s32 $0x9;
	_ =	strace $0x8000004B  }
0x2a: {  	_ =	swait.ge [sflag:s29], $0x1  }
0x2b: {  	[sflag:s29] =	ssyncadd.s32 $0xFFFFFFFF  }
0x2c: {  	_ =	strace $0x9000004B  }
0x2d: {  	_ =	sfence  }
0x2e: {  	s30 =	sld [smem:$0x0];
	_ =	sdelay $0x2  }
0x2f: {  	s31 =	sshll.u32 s3, $0xD;
	s3 =	sshrl.u32 s3, $0x2  }
0x30: {  	s2 =	sand.u32 $0x4000, s31;
	s1 =	sadd.s32 s3, s30  }
0x31: {  	s0 =	sor.u32 s2, s0;
	s1 =	sshll.u32 s1, $0x11  }
0x32: {  	s0 =	sor.u32 s1, s0  }
0x33: {  	s0 =	sadd.s32 $0x8F2B, s0  }
0x34: {  	[sflag:s0] =	ssyncadd.remote.s32 $0x1  }
0x35: {  	_ =	sfence.sel $0xFFFF  }
0x36: {  	[dreg:$0x0] =	wrdreg $0xFFFFFFFF;
	(pc) =	sbr.abs _section_cstart, $3  }
0x37: {  	[dreg:$0x1] =	wrdreg $0xFFFFFFFF  }
0x38: {  	_ =	task.clear_ibuf [dreg:s6], $0x2FFFF;
	_ =	strace $0x9FFFFFFF  }
0x39: {  	(tm) =	ssettm $0x7FFFFFFF  }
tec
execute0_lowered:
.L_overlay_start_1:
0x0: {  	(tag) =	ssettag $0x1  }
0x1: {  	s0 =	srdreg.scid;
	s3 =	stileid.u32  }
0x2: {  	s1 =	rddreg [dreg:$0x0];
	_ =	strace $0x8000004A;
	s30 =	simm.s32 $0x1  }
0x3: {  	s31 =	simm.s32 $0x2;
	s19 =	simm.s32 $0x0;
	s0 =	sshll.u32 s0, $0x4  }
0x4: {  	p0 =	por $0x0, $0x0;
	s18 =	simm.s32 $0x0;
	s0 =	sand.u32 $0x10, s0  }
0x5: {  	s17 =	simm.s32 $0x0;
	s10 =	simm.s32 $0x0;
	s0 =	sor.u32 s3, s0  }
0x6: {  	s11 =	simm.s32 $0x0;
	s12 =	simm.s32 $0x0;
	s8 =	sshrl.u32 s0, $0x3  }
0x7: {  	s15 =	simm.s32 $0x0;
	s2 =	sadd.s32 $0x16000, s1;
	s0 =	ssub.s32 $0x59, s8  }
.Ltmp0:
0x8: {  	s1 =	sadd.s32 $0x7A6000, s1;
	s0 =	sshrl.u32 s0, $0x2;
	(pc) =	sbr.rel .LBB1_1-.Ltmp0, $4  }
0x9: {  	s9 =	sand.u32 $0x7, s3;
	[dreg:$0x3] =	wrdreg s1;
	s6 =	smul.u32 $0x6, s0  }
0xa: {  	s16 =	simm.s32 $0x0;
	[sflag:s30] =	ssyncpa.u1 $0x0;
	[dreg:$0x4] =	wrdreg s9  }
0xb: {  	[sflag:s31] =	ssyncpa.u1 $0x0;
	[dreg:$0x2] =	wrdreg s8;
	s20 =	sor.u32 $0x1, s6  }
0xc: {  	s14 =	smov.u32 s9;
	s13 =	smov.u32 s8;
	[dreg:$0x5] =	wrdreg s20  }
.LBB1_13:
0xd: {  	s0 =	sshrl.u32 s11, $0x3;
	s1 =	sshll.u32 s12, $0x3  }
0xe: {  	s3 =	sshll.u32 s11, $0x7;
	s4 =	smul.u32 $0x4080, s26;
	s23 =	sand.u32 $0x7F, s12  }
0xf: {  	p1 =	sgt.s32 s12, $0x280;
	s5 =	smov.u32 s10;
	s0 =	smul.u32 $0x1800, s0  }
0x10: {  	s26 =	smul.u32 $0x12C00, s10;
	s27 =	rddreg [dreg:$0x3];
	s1 =	sand.u32 $0xFFFFFC00, s1  }
0x11: {  	s31 =	simm.s32 $0x1800;
	s9 =	sand.u32 $0x380, s3;
	s0 =	sadd.s32 s1, s0  }
0x12: {  	s4 =	sor.u32 $0x8000, s4;
	s1 =	smov.u32 s12;
	s0 =	sor.u32 s9, s0  }
0x13: {  	s1 =	simm.s32 @!p1 $0x280;
	p1 =	sgt.s32 s10, $0x55;
	s3 =	sor.u32 s23, s0  }
0x14: {  	s1 =	sadd.s32 s20, s1;
	s5 =	simm.s32 @!p1 $0x55;
	s0 =	smulhi.u32 $0xAAAAAAAB, s0  }
0x15: {  	s7 =	smulhi.u32 $0xAAAAAAAB, s3;
	s5 =	sadd.s32 s22, s5;
	s8 =	sadd.s32 $0xFFFFFD80, s1  }
0x16: {  	s1 =	ssub.s32 $0x300, s1;
	p1 =	sgt.s32 s8, $0x7F;
	s24 =	ssub.s32 $0x56, s5  }
0x17: {  	s5 =	sadd.s32 $0xFFFFFFAB, s5;
	s8 =	smul.u32 $0x64, s24;
	s1 =	simm.s32 @p1 $0x0  }
0x18: {  	s0 =	sshrl.u32 s0, $0x9;
	s25 =	sshrl.u32 s7, $0x9;
	s1 =	smul.u32 s1, s21  }
0x19: {  	p1 =	sgt.s32 s5, $0x0;
	s0 =	sand.u32 $0x7, s0;
	s5 =	smul.u32 $0x300, s25  }
0x1a: {  	s9 =	rddreg [dreg:$0x4];
	s0 =	smul.u32 $0x60, s0;
	s8 =	simm.s32 @p1 $0x0  }
0x1b: {  	s20 =	rddreg [dreg:$0x5];
	s1 =	smul.u32 s8, s1;
	s3 =	ssub.s32 s3, s5  }
0x1c: {  	s5 =	sadd.s32 s27, s26;
	s8 =	rddreg [dreg:$0x2];
	s28 =	sand.u32 $0x7, s3  }
0x1d: {  	s3 =	sshrl.u32 s3, $0x3;
	s0 =	sadd.s32 s0, s5;
	s29 =	sshll.u32 s28, $0x12  }
0x1e: {  	s1 =	sand.u32 $0x3FFFFFFC, s1;
	s0 =	sadd.s32 s3, s0;
	s30 =	sor.u32 $0x80, s29  }
0x1f: {  	[hbm4b:s0+s30] =	stream.strided.scatter [tilespmem:s4], [sflag:$0x2], s1, s31, s30, $0x20;
	[tilespmem:$0x10100] =	vst v63  }
.LBB1_14:
0x20: {  	p1 =	slt.u32 s16, $0x2  }
0x21: {  	s0 =	smov.u32 s19;
	s4 =	smov.u32 s17;
	p2 =	sgt.s32 @!p1 s19, $0x55  }
0x22: {  	s1 =	sshra.s32 @!p1 s19, $0x1F;
	s3 =	sshra.s32 @!p1 s18, $0x1F;
	p2 =	por !p2, p1  }
0x23: {  	s1 =	sand.u32 @!p1 s1, s19;
	s0 =	simm.s32 @p2 $0x55;
	p2 =	sgt.s32 @!p1 s18, $0x7  }
0x24: {  	s0 =	ssub.s32 @!p1 s0, s1;
	p2 =	por !p2, p1;
	s1 =	smov.u32 s18  }
0x25: {  	s3 =	sand.u32 @!p1 s3, s18;
	s1 =	simm.s32 @p2 $0x7;
	p2 =	sgt.s32 @!p1 s17, $0x280  }
0x26: {  	s5 =	sshra.s32 @!p1 s17, $0x1F;
	p2 =	por !p2, p1;
	s1 =	ssub.s32 @!p1 s1, s3  }
0x27: {  	s3 =	sand.u32 @!p1 s5, s17;
	s5 =	sadd.s32 @!p1 $0xFFFFFFAB, s0;
	s4 =	simm.s32 @p2 $0x280  }
0x28: {  	s0 =	ssub.s32 @!p1 $0x56, s0;
	s3 =	ssub.s32 @!p1 s4, s3;
	s4 =	sadd.s32 @!p1 $0xFFFFFFF9, s1  }
0x29: {  	s0 =	smul.u32 @!p1 $0x64, s0;
	p2 =	sgt.s32 @!p1 s4, $0x0;
	s4 =	sadd.s32 @!p1 $0xFFFFFD80, s3  }
0x2a: {  	s1 =	ssub.s32 @!p1 $0x8, s1;
	p2 =	por !p2, p1;
	p3 =	sgt.s32 @!p1 s4, $0x7F  }
0x2b: {  	s3 =	ssub.s32 @!p1 $0x300, s3;
	s1 =	simm.s32 @!p2 $0x0;
	p2 =	por !p3, p1  }
0x2c: {  	s4 =	sadd.s32 $0x8, s14;
	p3 =	sgt.s32 @!p1 s5, $0x0;
	s3 =	simm.s32 @!p2 $0x0  }
0x2d: {  	p2 =	por !p3, p1;
	s1 =	smul.u32 @!p1 s3, s1;
	s3 =	sadd.s32 $0x4, s13  }
0x2e: {  	s5 =	smov.u32 s14;
	s0 =	simm.s32 @!p2 $0x0;
	p2 =	sgt.s32 s3, $0x55  }
0x2f: {  	s0 =	smul.u32 @!p1 s0, s1;
	s5 =	smov.u32 @p2 s4  }
0x30: {  	s1 =	sadd.s32 $0x80, s15;
	s4 =	smov.u32 s15;
	p3 =	sgt.s32 s5, $0x7  }
0x31: {  	p0 =	por !p0, !p0;
	s19 =	smov.u32 s10;
	s4 =	smov.u32 @p3 s1  }
0x32: {  	s10 =	smov.u32 s13;
	s3 =	smov.u32 @p2 s8;
	p2 =	sgt.s32 s4, $0x2BF  }
0x33: {  	s18 =	smov.u32 s11;
	s4 =	simm.s32 @p2 $0x0;
	p2 =	sne.s32 s16, s20  }
.Ltmp1:
0x34: {  	s11 =	smov.u32 s14;
	s17 =	smov.u32 s12;
	(pc) =	sbr.rel @!p2 .LBB1_15-.Ltmp1, $4  }
0x35: {  	s12 =	smov.u32 s15;
	s0 =	sand.u32 @!p1 $0x3FFFFFFC, s0;
	s1 =	simm.s32 @!p1 $0x2  }
0x36: {  	s13 =	smov.u32 s3;
	s5 =	smov.u32 @p3 s9;
	_ =	swait.ge @!p1 [sflag:s1], s0  }
0x37: {  	s0 =	ssub.s32 @!p1 $0x0, s0;
	s14 =	smov.u32 s5;
	[sflag:s1] =	ssyncset.done @!p1 $0x0  }
0x38: {  	s16 =	sadd.s32 $0x1, s16;
	[sflag:s1] =	ssyncadd.s32 @!p1 s0;
	s15 =	smov.u32 s4  }
.LBB1_1:
0x39: {  	p1 =	sge.u32 s16, s6  }
0x3a: {  	s1 =	smov.u32 s15;
	s5 =	smov.u32 s14;
	p2 =	sgt.s32 @!p1 s15, $0x240  }
0x3b: {  	s0 =	sand.u32 @!p1 $0x1FFFFFF, s13;
	s4 =	sshra.s32 @!p1 s15, $0x1F;
	p2 =	por !p2, p1  }
0x3c: {  	s7 =	sshra.s32 @!p1 s14, $0x1F;
	s1 =	simm.s32 @p2 $0x240;
	p2 =	sgt.s32 @!p1 s14, $0x7  }
0x3d: {  	s3 =	smulhi.u32 @!p1 $0x2E8BA2F, s0;
	s4 =	sand.u32 @!p1 s4, s15;
	p2 =	por !p2, p1  }
0x3e: {  	s7 =	sand.u32 @!p1 s7, s14;
	s1 =	ssub.s32 @!p1 s1, s4;
	s5 =	simm.s32 @p2 $0x7  }
0x3f: {  	p2 =	sgt.s32 @!p1 s13, $0x57;
	s1 =	sadd.s32 @!p1 $0xFFFFFDC0, s1;
	s4 =	ssub.s32 @!p1 s5, s7  }
0x40: {  	p2 =	por !p2, p1;
	s7 =	smov.u32 s13;
	s5 =	sadd.s32 @!p1 $0xFFFFFFF9, s4  }
0x41: {  	s7 =	simm.s32 @p2 $0x57;
	p3 =	sgt.s32 @!p1 s5, $0x0;
	s5 =	sshra.s32 @!p1 s13, $0x1F  }
0x42: {  	p2 =	sgt.s32 @!p1 s1, $0x7F;
	s1 =	sshll.u32 @!p1 s1, $0x7;
	s5 =	sand.u32 @!p1 s5, s13  }
0x43: {  	s4 =	ssub.s32 @!p1 $0x8, s4;
	s1 =	ssub.s32 @!p1 $0x4000, s1;
	s5 =	ssub.s32 @!p1 s7, s5  }
0x44: {  	p2 =	por !p2, p1;
	p3 =	por !p3, p1;
	s7 =	sadd.s32 @!p1 $0xFFFFFFA9, s5  }
0x45: {  	s1 =	simm.s32 @!p2 $0x0;
	s4 =	simm.s32 @!p3 $0x0;
	p3 =	sgt.s32 @!p1 s7, $0x0  }
0x46: {  	s5 =	ssub.s32 @!p1 $0x58, s5;
	s1 =	smul.u32 @!p1 s4, s1;
	p2 =	por !p3, p1  }
0x47: {  	s3 =	smul.u32 @!p1 $0x58, s3;
	s5 =	simm.s32 @!p2 $0x0  }
0x48: {  	s1 =	smul.u32 @!p1 s5, s1  }
0x49: {  	s31 =	sadd.s32 $0xFFFFFFFF, s16;
	s5 =	smul.u32 @!p1 $0x2C00, s15  }
0x4a: {  	s0 =	ssub.s32 @!p1 s0, s3;
	s4 =	sxor.u32 @!p1 $0xFFFFFFFF, s16;
	s7 =	smul.u32 @!p1 $0x580, s14  }
0x4b: {  	s0 =	sshll.u32 @!p1 s0, $0x4;
	s4 =	sshll.u32 @!p1 s4, $0xE;
	s3 =	sadd.s32 @!p1 s2, s5  }
0x4c: {  	s4 =	sand.u32 @!p1 $0x4000, s4;
	s1 =	sand.u32 @!p1 $0x3FFFFF80, s1;
	s3 =	sadd.s32 @!p1 s7, s3  }
0x4d: {  	s5 =	simm.s32 @!p1 $0x16000;
	s0 =	sadd.s32 @!p1 s0, s3;
	s3 =	simm.s32 @!p1 $0x80  }
0x4e: {  	[tilespmem:s4], [sflag:$0x1] =	stream.strided.gather @!p1 [hbm4b:s0+s3], s1, s5, s3, $0x38;
	[tilespmem:$0x10100] =	vst v63  }
0x4f: {  	p1 =	sge.u32 s31, s6  }
.Ltmp2:
0x50: {  	_ = 	snop;
	(pc) =	sbr.rel @p1 .LBB1_14-.Ltmp2, $1  }
0x51: {  	_ =	sdelay $0x3  }
0x52: {  	s0 =	ssub.s32 $0x0, s12  }
0x53: {  	s1 =	sshra.s32 s12, $0x1F;
	p1 =	sgt.s32 s12, $0x240;
	s3 =	smov.u32 s12  }
0x54: {  	s28 =	sshra.s32 s11, $0x1F;
	s29 =	ssub.s32 $0x0, s10;
	s4 =	sshra.s32 s10, $0x1F  }
0x55: {  	p2 =	sgt.s32 s10, $0x57;
	s5 =	smov.u32 s10;
	s20 =	sand.u32 s0, s1  }
0x56: {  	s3 =	simm.s32 @!p1 $0x240;
	p1 =	sgt.s32 s11, $0x7;
	s1 =	smov.u32 s11  }
0x57: {  	s22 =	sand.u32 s29, s4;
	s5 =	simm.s32 @!p2 $0x57;
	s4 =	sadd.s32 $0x1, s11  }
0x58: {  	s0 =	sadd.s32 s20, s3;
	s1 =	simm.s32 @!p1 $0x7;
	s3 =	sand.u32 s28, s11  }
0x59: {  	s0 =	sadd.s32 $0xFFFFFDC0, s0;
	s1 =	ssub.s32 s1, s3;
	s3 =	sadd.s32 s22, s5  }
0x5a: {  	p1 =	sgt.s32 s0, $0x7F;
	s7 =	sadd.s32 $0xFFFFFFF9, s1;
	s0 =	sshll.u32 s0, $0x7  }
0x5b: {  	s21 =	ssub.s32 $0x8, s1;
	s30 =	sadd.s32 $0xFFFFFFA9, s3;
	s1 =	ssub.s32 $0x58, s3  }
0x5c: {  	s3 =	sadd.s32 $0x80, s12;
	p2 =	sgt.s32 s7, $0x0;
	s0 =	ssub.s32 $0x4000, s0  }
0x5d: {  	s21 =	simm.s32 @p2 $0x0;
	s0 =	simm.s32 @p1 $0x0;
	p1 =	slt.s32 s3, $0x2C0  }
0x5e: {  	p2 =	sgt.s32 s30, $0x0;
	s0 =	smul.u32 s21, s0;
	s3 =	simm.s32 @!p1 $0x2C0  }
0x5f: {  	s1 =	simm.s32 @p2 $0x0;
	p1 =	slt.s32 s4, $0x8;
	s23 =	ssub.s32 s3, s12  }
0x60: {  	s4 =	simm.s32 @!p1 $0x8;
	s0 =	smul.u32 s1, s0;
	s1 =	sadd.s32 $0x1, s10  }
0x61: {  	s24 =	ssub.s32 s4, s11;
	p1 =	slt.s32 s23, $0x1;
	p2 =	slt.s32 s1, $0x56  }
0x62: {  	s1 =	simm.s32 @!p2 $0x56;
	p2 =	slt.s32 @!p1 s24, $0x1  }
0x63: {  	s25 =	ssub.s32 s1, s10;
	p2 =	por p1, p2  }
0x64: {  	p3 =	slt.s32 @!p2 s25, $0x1  }
0x65: {  	p2 =	por p2, p3  }
.Ltmp3:
0x66: {  	_ = 	snop;
	(pc) =	sbr.rel @p2 .LBB1_13-.Ltmp3, $4  }
0x67: {  	s31 =	simm.s32 $0x1;
	s0 =	sand.u32 $0x3FFFFF80, s0  }
0x68: {  	_ =	swait.ge [sflag:s31], s0  }
0x69: {  	s0 =	ssub.s32 $0x0, s0;
	[sflag:s31] =	ssyncset.done $0x0  }
0x6a: {  	s26 =	sand.u32 $0x1, s16;
	[sflag:s31] =	ssyncadd.s32 s0  }
0x6b: {  	s0 =	simm.s32 $0x1  }
.Ltmp4:
0x6c: {  	s0 =	simm.s32 @!p0 $0x0;
	(pc) =	sbr.rel .LBB1_4-.Ltmp4, $3  }
0x6d: {  	s0 =	smul.u32 $0x10200, s0;
	_ =	sdelay $0x1  }
0x6e: {  	s27 =	sshll.u32 @!p1 s26, $0xE;
	s0 =	sshrl.u32 s0, $0x2  }
0x6f: {  	s29 =	simm.s32 $0x0;
	s30 =	simm.s32 $0x0;
	s28 =	sor.u32 $0x8000, s0  }
.LBB1_12:
0x70: {  	s30 =	sadd.s32 $0x1, s30  }
0x71: {  	p1 =	sne.s32 s30, s23  }
.Ltmp5:
0x72: {  	_ = 	snop;
	(pc) =	sbr.rel @!p1 .LBB1_13-.Ltmp5, $2  }
0x73: {  	_ =	sdelay $0x2  }
0x74: {  	s29 =	sadd.s32 $0x1, s29  }
.LBB1_4:
0x75: {  	s0 =	sand.u32 $0x7F, s29  }
0x76: {  	s1 =	simm.s32 $0x0;
	s31 =	sadd.s32 s0, s28;
	s0 =	simm.s32 $0x0  }
.LBB1_5:
0x77: {  	s3 =	sand.u32 $0x7, s1  }
0x78: {  	s4 =	sadd.s32 s30, s0;
	s3 =	smul.u32 $0x204, s3  }
0x79: {  	s5 =	sshll.u32 s4, $0x9  }
0x7a: {  	s8 =	sshra.s32 s5, $0x2;
	s3 =	sshrl.u32 s3, $0x2  }
0x7b: {  	p2 =	sne.s32 s25, $0x1;
	s4 =	sadd.s32 s3, s31;
	s3 =	sadd.s32 s8, s27  }
.Ltmp6:
0x7c: {  	v0 =	vmov s3;
	(pc) =	sbr.rel @!p2 .LBB1_6-.Ltmp6, $3  }
0x7d: {  	_ =	sdelay $0x1  }
0x7e: {  	s9 =	simm.s32 $0x0  }
0x7f: {  	s7 =	sadd.s32 $0xFFFFFFFF, s25;
	p1 =	por $0x0, $0x0;
	s3 =	sand.u32 $0x380, s9  }
0x80: {  	_ =	sdelay $0x3  }
0x81: {  	v7 =	vld.idx.msk [tilespmem:v0+s3+$0x60 ss:$0x1], $0xffff  }
0x82: {  	v1 =	vld.idx.msk [tilespmem:v0+s3+$0x0 ss:$0x1], $0xffff;
	p2 =	sne.s32 s7, $0x1  }
.Ltmp7:
0x83: {  	v2 =	vld.idx.msk [tilespmem:v0+s3+$0x10 ss:$0x1], $0xffff;
	(pc) =	sbr.rel @!p2 .LBB1_8-.Ltmp7, $4  }
0x84: {  	v3 =	vld.idx.msk [tilespmem:v0+s3+$0x20 ss:$0x1], $0xffff  }
0x85: {  	v4 =	vld.idx.msk [tilespmem:v0+s3+$0x30 ss:$0x1], $0xffff  }
0x86: {  	v5 =	vld.idx.msk [tilespmem:v0+s3+$0x40 ss:$0x1], $0xffff;
	s8 =	simm.s32 $0x80;
	s7 =	sadd.s32 $0xFFFFFFFF, s7  }
0x87: {  	v6 =	vld.idx.msk [tilespmem:v0+s3+$0x50 ss:$0x1], $0xffff;
	p1 =	por $0x1, $0x1;
	s9 =	smov.u32 s4;
	s5 =	sand.u32 $0x380, s8;
	[tilespmem:s4+$0x3060 ss:$0x81] =	vst.msk $0xffff, v7  }
.LBB1_9:
0x88: {  	p2 =	sne.s32 s7, $0x1;
	v7 =	vld.idx.msk [tilespmem:v0+s5+$0x60 ss:$0x1], $0xffff;
	[tilespmem:s9+$0x0 ss:$0x81] =	vst.msk $0xffff, v1  }
0x89: {  	v1 =	vld.idx.msk [tilespmem:v0+s5+$0x0 ss:$0x1], $0xffff;
	[tilespmem:s9+$0x810 ss:$0x81] =	vst.msk $0xffff, v2  }
.Ltmp8:
0x8a: {  	v2 =	vld.idx.msk [tilespmem:v0+s5+$0x10 ss:$0x1], $0xffff;
	[tilespmem:s9+$0x1020 ss:$0x81] =	vst.msk $0xffff, v3;
	(pc) =	sbr.rel @p2 .LBB1_9-.Ltmp8, $4  }
0x8b: {  	v3 =	vld.idx.msk [tilespmem:v0+s5+$0x20 ss:$0x1], $0xffff;
	[tilespmem:s9+$0x1830 ss:$0x81] =	vst.msk $0xffff, v4  }
0x8c: {  	v4 =	vld.idx.msk [tilespmem:v0+s5+$0x30 ss:$0x1], $0xffff;
	[tilespmem:s9+$0x2040 ss:$0x81] =	vst.msk $0xffff, v5  }
0x8d: {  	s8 =	sadd.s32 $0x80, s8;
	v5 =	vld.idx.msk [tilespmem:v0+s5+$0x40 ss:$0x1], $0xffff;
	[tilespmem:s9+$0x2850 ss:$0x81] =	vst.msk $0xffff, v6;
	s9 =	sadd.s32 $0x4080, s9  }
0x8e: {  	s7 =	sadd.s32 $0xFFFFFFFF, s7;
	v6 =	vld.idx.msk [tilespmem:v0+s5+$0x50 ss:$0x1], $0xffff;
	s5 =	sand.u32 $0x380, s8;
	[tilespmem:s9+$0x3060 ss:$0x81] =	vst.msk $0xffff, v7  }
0x8f: {  	s3 =	smov.u32 s5  }
.LBB1_11:
0x90: {  	_ =	sdelay $0x2  }
0x91: {  	[tilespmem:s9+$0x0 ss:$0x81] =	vst.msk @p1 $0xffff, v1  }
0x92: {  	v57 =	vld.idx.msk [tilespmem:v0+s3+$0x60 ss:$0x1], $0xffff;
	[tilespmem:s9+$0x810 ss:$0x81] =	vst.msk @p1 $0xffff, v2  }
0x93: {  	v58 =	vld.idx.msk [tilespmem:v0+s3+$0x0 ss:$0x1], $0xffff;
	[tilespmem:s9+$0x1020 ss:$0x81] =	vst.msk @p1 $0xffff, v3  }
0x94: {  	v59 =	vld.idx.msk [tilespmem:v0+s3+$0x10 ss:$0x1], $0xffff;
	[tilespmem:s9+$0x1830 ss:$0x81] =	vst.msk @p1 $0xffff, v4  }
0x95: {  	v60 =	vld.idx.msk [tilespmem:v0+s3+$0x20 ss:$0x1], $0xffff;
	s5 =	sadd.s32 @p1 $0x4080, s9;
	[tilespmem:s9+$0x2040 ss:$0x81] =	vst.msk @p1 $0xffff, v5  }
0x96: {  	v61 =	vld.idx.msk [tilespmem:v0+s3+$0x30 ss:$0x1], $0xffff;
	s4 =	smov.u32 @p1 s5;
	[tilespmem:s9+$0x2850 ss:$0x81] =	vst.msk @p1 $0xffff, v6  }
0x97: {  	v62 =	vld.idx.msk [tilespmem:v0+s3+$0x40 ss:$0x1], $0xffff;
	s0 =	sadd.s32 $0x1, s0;
	[tilespmem:s4+$0x3060 ss:$0x81] =	vst.msk $0xffff, v57  }
0x98: {  	v63 =	vld.idx.msk [tilespmem:v0+s3+$0x50 ss:$0x1], $0xffff;
	p1 =	sne.s32 s0, s24;
	[tilespmem:s4+$0x0 ss:$0x81] =	vst.msk $0xffff, v58  }
.Ltmp9:
0x99: {  	[tilespmem:s4+$0x810 ss:$0x81] =	vst.msk $0xffff, v59;
	(pc) =	sbr.rel @p1 .LBB1_5-.Ltmp9, $4  }
.Ltmp10:
0x9a: {  	[tilespmem:s4+$0x1020 ss:$0x81] =	vst.msk $0xffff, v60;
	(pc) =	sbr.rel @!p1 .LBB1_12-.Ltmp10, $4  }
0x9b: {  	[tilespmem:s4+$0x1830 ss:$0x81] =	vst.msk $0xffff, v61  }
0x9c: {  	[tilespmem:s4+$0x2040 ss:$0x81] =	vst.msk $0xffff, v62  }
0x9d: {  	s1 =	sadd.s32 $0x1, s1;
	[tilespmem:s4+$0x2850 ss:$0x81] =	vst.msk $0xffff, v63  }
0x9e: {  	_ = 	snop  }
.LBB1_6:
.Ltmp11:
0x9f: {  	(pc) =	sbr.rel .LBB1_11-.Ltmp11, $2  }
0xa0: {  	_ =	sdelay $0x2  }
0xa1: {  	s9 =	smov.u32 s4  }
.LBB1_8:
.Ltmp12:
0xa2: {  	(pc) =	sbr.rel .LBB1_11-.Ltmp12, $2  }
0xa3: {  	_ =	sdelay $0x2  }
0xa4: {  	s3 =	smov.u32 s5;
	s9 =	smov.u32 s4  }
.LBB1_15:
0xa5: {  	_ =	sfence.sel $0x180000  }
0xa6: {  	s0 =	simm.s32 $0x1;
	[bflag:$0x0] =	sbarrier.arrive $0xFFFF  }
0xa7: {  	s30 =	simm.s32 $0x2;
	[sflag:s0] =	ssyncpa.u1 $0x1  }
0xa8: {  	[sflag:s30] =	ssyncpa.u1 $0x1  }
0xa9: {  	_ =	strace $0x9000004A  }
0xaa: {  	s31 =	stileid.u32;
	[bflag:$0x2] =	sbarrier.arrive $0xFFFF  }
0xab: {  	p0 =	sne.s32 s31, $0x0;
	s0 =	rddreg [dreg:$0x1]  }
0xac: {  	s0 =	sadd.s32 @!p0 $0x100000, s0  }
0xad: {  	[sflag:s0] =	ssyncadd.tile.s32 @!p0 $0x1;
	_ =	shalt  }
.Lfunc_end1:
_tile_overlayer_lowered:
.L_overlay_start_2:
0xae: {  	(tag) =	ssettag $0x2  }
0xaf: {  	s0 =	rddreg [dreg:$0x0];
	s2 =	stileid.u32  }
0xb0: {  	s1 =	rddreg [dreg:$0x1];
	p0 =	sne.s32 s2, $0x0  }
0xb1: {  	s3 =	rddreg [dreg:$0x2];
	[bflag:$0x3] =	sbarrier.arrive $0xFFFF;
	s2 =	simm.s32 @!p0 $0x1C01  }
0xb2: {  	[timem:s3], [sflag:s2] =	dma.local @!p0 [hbm:s0], s1  }
0xb3: {  	s0 =	simm.s32 @!p0 $0x1  }
0xb4: {  	_ =	swait.ge @!p0 [sflag:s0], s1  }
0xb5: {  	s1 =	ssub.s32 @!p0 $0x0, s1;
	[sflag:s0] =	ssyncset.done @!p0 $0x0  }
0xb6: {  	[sflag:s0] =	ssyncadd.s32 @!p0 s1  }
0xb7: {  	[bflag:$0x3] =	sbarrier.arrive $0xFFFF  }
0xb8: {  	_ =	shalt  }

</sc_bundles>
